<compile_context>
chip_gen: v7x
topology: tpu7x:2x2x1
jax: 0.10.2.dev20260603
libtpu: 0.0.44.dev20260713+nightly
codegen_flags: <defaults>
</compile_context>

<pallas_src>
import functools

import jax
import jax.numpy as jnp
from jax import lax
from jax.experimental import pallas as pl
from jax.experimental.pallas import tpu as pltpu
from jax.experimental.pallas import tpu_sc as plsc

NC = 2
NS = 16
NW = NC * NS
LANES = 16
UNROLL = 8


def _sc_mesh():
  return plsc.VectorSubcoreMesh(core_axis_name="c", subcore_axis_name="s")




def _deg_kernel(nacc, ept, col1, zeros1, out, colv, acc):
  c = lax.axis_index("c")
  s = lax.axis_index("s")
  wid = c * NS + s
  pltpu.sync_copy(zeros1, acc)
  pltpu.sync_copy(col1.at[pl.ds(wid * ept, ept)], colv)
  ones16 = jnp.full((LANES,), 1.0, jnp.float32)

  @plsc.parallel_loop(0, ept // LANES, 1, unroll=UNROLL)
  def _(i):
    c16 = colv[pl.ds(i * LANES, LANES)]
    plsc.addupdate_scatter(acc, [c16], ones16)

  pltpu.sync_copy(acc, out.at[wid])


def _edge_kernel(nacc, ept, fdim, row1, col1, q, zerosq, out,
                 rowv, colv, qv, acc):
  c = lax.axis_index("c")
  s = lax.axis_index("s")
  wid = c * NS + s
  pltpu.sync_copy(zerosq, acc)
  pltpu.sync_copy(q, qv)
  pltpu.sync_copy(row1.at[pl.ds(wid * ept, ept)], rowv)
  pltpu.sync_copy(col1.at[pl.ds(wid * ept, ept)], colv)

  @plsc.parallel_loop(0, ept // LANES, 1, unroll=UNROLL)
  def _(i):
    base = i * LANES
    r16 = rowv[pl.ds(base, LANES)]
    c16 = colv[pl.ds(base, LANES)]
    for k in range(fdim):
      k16 = jnp.full((LANES,), k, jnp.int32)
      vals = plsc.load_gather(qv, [k16, r16])
      plsc.addupdate_scatter(acc, [k16, c16], vals)

  pltpu.sync_copy(acc, out.at[wid])


_SC_PARAMS = pltpu.CompilerParams(needs_layout_passes=False)


def _sc_deg(nacc, ept, col1, zeros1):
  return pl.kernel(
      functools.partial(_deg_kernel, nacc, ept),
      out_type=jax.ShapeDtypeStruct((NW, nacc), jnp.float32),
      mesh=_sc_mesh(),
      compiler_params=_SC_PARAMS,
      scratch_types=[
          pltpu.VMEM((ept,), jnp.int32),
          pltpu.VMEM((nacc,), jnp.float32),
      ],
  )(col1, zeros1)


def _sc_edge(nacc, ept, fdim, row1, col1, q, zerosq):
  return pl.kernel(
      functools.partial(_edge_kernel, nacc, ept, fdim),
      out_type=jax.ShapeDtypeStruct((NW, fdim, nacc), jnp.float32),
      mesh=_sc_mesh(),
      compiler_params=_SC_PARAMS,
      scratch_types=[
          pltpu.VMEM((ept,), jnp.int32),
          pltpu.VMEM((ept,), jnp.int32),
          pltpu.VMEM((fdim, nacc), jnp.float32),
          pltpu.VMEM((fdim, nacc), jnp.float32),
      ],
  )(row1, col1, q, zerosq)




def _prep_body(degp, xT, dinv_out, q1_out):
  deg = jnp.sum(degp[...], axis=0) + 1.0
  dinv = lax.rsqrt(deg)
  dinv_out[...] = dinv
  q1_out[...] = xT[...] * dinv


def _mid_body(s1p, q1, dinv, w1T, b1c, w2T, q2_out):
  s1 = jnp.sum(s1p[...], axis=0)
  p1 = dinv[...] * (s1 + q1[...])
  h = jnp.dot(w1T[...], p1, preferred_element_type=jnp.float32) + b1c[...]
  h = jnp.maximum(h, 0.0)
  t = jnp.dot(w2T[...], h, preferred_element_type=jnp.float32)
  q2_out[...] = t * dinv[...]


def _tail_body(g, s2p, q2, dinv, b2c, batchc, out):
  s2 = jnp.sum(s2p[...], axis=0)
  out2 = dinv[...] * (s2 + q2[...]) + b2c[...]
  nacc = out2.shape[1]
  gids = lax.broadcasted_iota(jnp.int32, (nacc, g), 1)
  ohT = (batchc[...] == gids).astype(jnp.float32)
  sums = jnp.dot(out2, ohT, preferred_element_type=jnp.float32)
  cnts = jnp.sum(ohT, axis=0, keepdims=True)
  pooled = sums / jnp.maximum(cnts, 1.0)
  m = jnp.max(pooled, axis=0, keepdims=True)
  z = pooled - m
  lse = jnp.log(jnp.sum(jnp.exp(z), axis=0, keepdims=True))
  out[...] = z - lse


def _tc_call(body, out_shape, *args):
  return pl.pallas_call(
      body,
      out_shape=jax.ShapeDtypeStruct(out_shape, jnp.float32),
  )(*args)


def _tc_prep(degp3, xT):
  return pl.pallas_call(
      _prep_body,
      out_shape=(jax.ShapeDtypeStruct((1, xT.shape[1]), jnp.float32),
                 jax.ShapeDtypeStruct(xT.shape, jnp.float32)),
  )(degp3, xT)




def kernel(x, edge_index, batch, W1, b1, W2, b2):
  n, fin = x.shape
  e = edge_index.shape[1]
  g = 64
  hid = W1.shape[1]
  fout = W2.shape[1]

  grp_e = LANES * UNROLL
  ept = -(-e // (NW * grp_e)) * grp_e
  e_pad = NW * ept
  nacc = -(-(n + 1) // 128) * 128

  row = edge_index[0]
  col = edge_index[1]
  pad = e_pad - e
  if pad:
    row = jnp.concatenate([row, jnp.zeros((pad,), jnp.int32)])
    col = jnp.concatenate([col, jnp.full((pad,), n, jnp.int32)])

  xT = jnp.zeros((fin, nacc), jnp.float32).at[:, :n].set(x.T)
  w1T = W1.T
  b1c = b1.reshape(hid, 1)
  w2T = W2.T
  b2c = b2.reshape(fout, 1)
  batchc = jnp.full((nacc, 1), g, jnp.int32).at[:n, 0].set(batch)
  zeros1 = jnp.zeros((nacc,), jnp.float32)
  zeros2 = jnp.zeros((fin, nacc), jnp.float32)
  zeros3 = jnp.zeros((fout, nacc), jnp.float32)

  degp = _sc_deg(nacc, ept, col, zeros1)
  dinv, q1 = _tc_prep(degp.reshape(NW, 1, nacc), xT)
  s1p = _sc_edge(nacc, ept, fin, row, col, q1, zeros2)
  q2 = _tc_call(_mid_body, (fout, nacc), s1p, q1, dinv, w1T, b1c, w2T)
  s2p = _sc_edge(nacc, ept, fout, row, col, q2, zeros3)
  out = _tc_call(functools.partial(_tail_body, g), (fout, g),
                 s2p, q2, dinv, b2c, batchc)
  return out.T

# --- scband reference (transcript-rebuilt; emitter-appended) ---
"""Pipeline reference for scband-gcn-42434276884928 (READ-ONLY COPY).

The authoritative reference and input builder live on the scoring server;
editing this copy changes nothing except your own understanding.
"""

import jax, jax.numpy as jnp
import numpy as np

N = 10000
E = 640000
G = 64

def setup_inputs(seed: int = 0) -> dict:
    key = jax.random.key(seed)
    k1, k2, k3, k4, k5, k6, k7 = jax.random.split(key, 7)
    x = jax.random.normal(k1, (N, 2), dtype=jnp.float32)
    edge_index = jax.random.randint(k2, (2, E), 0, N, dtype=jnp.int32)
    batch = jnp.sort(jax.random.randint(k3, (N,), 0, G, dtype=jnp.int32))
    W1 = jax.random.normal(k4, (2, 64), dtype=jnp.float32) * 0.5
    b1 = jnp.zeros((64,), dtype=jnp.float32)
    W2 = jax.random.normal(k5, (64, 3), dtype=jnp.float32) * 0.1
    b2 = jnp.zeros((3,), dtype=jnp.float32)
    return {"x": x, "edge_index": edge_index, "batch": batch, "W1": W1, "b1": b1, "W2": W2, "b2": b2}


def _gcn_conv(x, edge_index, W, b):
    # Faithful GCNConv: linear (no bias), add self-loops, symmetric normalization,
    # gather messages from src, scatter-add to dst, then add bias.
    row = edge_index[0]
    col = edge_index[1]
    loop = jnp.arange(N, dtype=edge_index.dtype)
    row = jnp.concatenate([row, loop])
    col = jnp.concatenate([col, loop])
    h = x @ W
    ones = jnp.ones((row.shape[0],), dtype=h.dtype)
    deg = jax.ops.segment_sum(ones, col, num_segments=N)
    deg_inv_sqrt = jnp.where(deg > 0, 1.0 / jnp.sqrt(deg), 0.0)
    norm = deg_inv_sqrt[row] * deg_inv_sqrt[col]
    msgs = h[row] * norm[:, None]
    out = jax.ops.segment_sum(msgs, col, num_segments=N)
    return out + b


def reference(x, edge_index, batch, W1, b1, W2, b2):
    h = _gcn_conv(x, edge_index, W1, b1)
    h = jax.nn.relu(h)
    h = _gcn_conv(h, edge_index, W2, b2)
    # global_mean_pool over batch assignment
    sums = jax.ops.segment_sum(h, batch, num_segments=G)
    cnts = jax.ops.segment_sum(jnp.ones((h.shape[0],), dtype=h.dtype), batch, num_segments=G)
    pooled = sums / jnp.clip(cnts, 1.0)[:, None]
    return jax.nn.log_softmax(pooled, axis=1)

if __name__ == "__main__":
    import jax
    _d = setup_inputs()
    print(jax.jit(kernel)(*tuple(_d.values())))

</pallas_src>

<mosaic_0001>
#map = affine_map<(d0, d1) -> (0)>
#map1 = affine_map<(d0, d1) -> (0, 0)>
#map2 = affine_map<(d0, d1) -> (0, 0, 0)>
module attributes {stable_mosaic.version = 14 : i64} {
  func.func @_edge_kernel(%arg0: i32, %arg1: i32, %arg2: memref<643072xi32, #tpu.memory_space<hbm>>, %arg3: memref<643072xi32, #tpu.memory_space<hbm>>, %arg4: memref<3x10112xf32, #tpu.memory_space<hbm>>, %arg5: memref<3x10112xf32, #tpu.memory_space<hbm>>, %arg6: memref<32x3x10112xf32, #tpu.memory_space<hbm>>, %arg7: memref<20096xi32, #tpu.memory_space<vmem>>, %arg8: memref<20096xi32, #tpu.memory_space<vmem>>, %arg9: memref<3x10112xf32, #tpu.memory_space<vmem>>, %arg10: memref<3x10112xf32, #tpu.memory_space<vmem>>) attributes {dimension_semantics = [#tpu.dimension_semantics<core_parallel>, #tpu.dimension_semantics<subcore_parallel>], iteration_bounds = array<i64: 2, 16>, scalar_prefetch = 0 : i64, scratch_operands = 4 : i64, tpu.core_type = #tpu.core_type<sc_vector_subcore>, window_params = [{transform_indices = #map}, {transform_indices = #map}, {transform_indices = #map1}, {transform_indices = #map1}, {transform_indices = #map2}]} {
    %mul3A = arith.constant 16 : i32
    %mul3A_0 = arith.muli %arg0, %mul3A : i32
    %add3A = arith.addi %mul3A_0, %arg1 : i32
    "tpu.region"() ({
      %run_scoped3A = tpu.sem_alloc : memref<!tpu.dma_semaphore, #tpu.memory_space<semaphore_mem>>
      tpu.enqueue_dma source(%arg5 : memref<3x10112xf32, #tpu.memory_space<hbm>>) target(%arg10 : memref<3x10112xf32, #tpu.memory_space<vmem>>) target_semaphore(%run_scoped3A : memref<!tpu.dma_semaphore, #tpu.memory_space<semaphore_mem>>)
      tpu.wait_dma2 semaphore(%run_scoped3A : memref<!tpu.dma_semaphore, #tpu.memory_space<semaphore_mem>>) src(%arg5 : memref<3x10112xf32, #tpu.memory_space<hbm>>) dst(%arg10 : memref<3x10112xf32, #tpu.memory_space<vmem>>)
      tpu.yield
    }) : () -> ()
    "tpu.region"() ({
      %run_scoped3A = tpu.sem_alloc : memref<!tpu.dma_semaphore, #tpu.memory_space<semaphore_mem>>
      tpu.enqueue_dma source(%arg4 : memref<3x10112xf32, #tpu.memory_space<hbm>>) target(%arg9 : memref<3x10112xf32, #tpu.memory_space<vmem>>) target_semaphore(%run_scoped3A : memref<!tpu.dma_semaphore, #tpu.memory_space<semaphore_mem>>)
      tpu.wait_dma2 semaphore(%run_scoped3A : memref<!tpu.dma_semaphore, #tpu.memory_space<semaphore_mem>>) src(%arg4 : memref<3x10112xf32, #tpu.memory_space<hbm>>) dst(%arg9 : memref<3x10112xf32, #tpu.memory_space<vmem>>)
      tpu.yield
    }) : () -> ()
    %mul3A_1 = arith.constant 20096 : i32
    %mul3A_2 = arith.muli %add3A, %mul3A_1 : i32
    "tpu.region"() ({
      %run_scoped3A = tpu.sem_alloc : memref<!tpu.dma_semaphore, #tpu.memory_space<semaphore_mem>>
      %dma_start3A = tpu.memref_slice %arg2[%mul3A_2] : memref<643072xi32, #tpu.memory_space<hbm>> -> memref<20096xi32, #tpu.memory_space<hbm>>
      %dma_start3A_7 = tpu.memref_slice %arg2[%mul3A_2] : memref<643072xi32, #tpu.memory_space<hbm>> -> memref<20096xi32, #tpu.memory_space<hbm>>
      tpu.enqueue_dma source(%dma_start3A_7 : memref<20096xi32, #tpu.memory_space<hbm>>) target(%arg7 : memref<20096xi32, #tpu.memory_space<vmem>>) target_semaphore(%run_scoped3A : memref<!tpu.dma_semaphore, #tpu.memory_space<semaphore_mem>>)
      %dma_wait3A = tpu.memref_slice %arg2[%mul3A_2] : memref<643072xi32, #tpu.memory_space<hbm>> -> memref<20096xi32, #tpu.memory_space<hbm>>
      %dma_wait3A_8 = tpu.memref_slice %arg2[%mul3A_2] : memref<643072xi32, #tpu.memory_space<hbm>> -> memref<20096xi32, #tpu.memory_space<hbm>>
      tpu.wait_dma2 semaphore(%run_scoped3A : memref<!tpu.dma_semaphore, #tpu.memory_space<semaphore_mem>>) src(%dma_wait3A_8 : memref<20096xi32, #tpu.memory_space<hbm>>) dst(%arg7 : memref<20096xi32, #tpu.memory_space<vmem>>)
      tpu.yield
    }) : () -> ()
    %mul3A_3 = arith.constant 20096 : i32
    %mul3A_4 = arith.muli %add3A, %mul3A_3 : i32
    "tpu.region"() ({
      %run_scoped3A = tpu.sem_alloc : memref<!tpu.dma_semaphore, #tpu.memory_space<semaphore_mem>>
      %dma_start3A = tpu.memref_slice %arg3[%mul3A_4] : memref<643072xi32, #tpu.memory_space<hbm>> -> memref<20096xi32, #tpu.memory_space<hbm>>
      %dma_start3A_7 = tpu.memref_slice %arg3[%mul3A_4] : memref<643072xi32, #tpu.memory_space<hbm>> -> memref<20096xi32, #tpu.memory_space<hbm>>
      tpu.enqueue_dma source(%dma_start3A_7 : memref<20096xi32, #tpu.memory_space<hbm>>) target(%arg8 : memref<20096xi32, #tpu.memory_space<vmem>>) target_semaphore(%run_scoped3A : memref<!tpu.dma_semaphore, #tpu.memory_space<semaphore_mem>>)
      %dma_wait3A = tpu.memref_slice %arg3[%mul3A_4] : memref<643072xi32, #tpu.memory_space<hbm>> -> memref<20096xi32, #tpu.memory_space<hbm>>
      %dma_wait3A_8 = tpu.memref_slice %arg3[%mul3A_4] : memref<643072xi32, #tpu.memory_space<hbm>> -> memref<20096xi32, #tpu.memory_space<hbm>>
      tpu.wait_dma2 semaphore(%run_scoped3A : memref<!tpu.dma_semaphore, #tpu.memory_space<semaphore_mem>>) src(%dma_wait3A_8 : memref<20096xi32, #tpu.memory_space<hbm>>) dst(%arg8 : memref<20096xi32, #tpu.memory_space<vmem>>)
      tpu.yield
    }) : () -> ()
    %parallel_loop3A = arith.constant 0 : i32
    %parallel_loop3A_5 = arith.constant 1256 : i32
    %parallel_loop3A_6 = arith.constant 1 : i32
    scf.for %parallel_loop3A_7 = %parallel_loop3A to %parallel_loop3A_5 step %parallel_loop3A_6  : i32 {
      %parallel_loop3A_8 = arith.constant 16 : i32
      %parallel_loop3A_9 = arith.muli %parallel_loop3A_7, %parallel_loop3A_8 : i32
      %parallel_loop3A_10 = arith.index_cast %parallel_loop3A_9 : i32 to index
      %parallel_loop3A_11 = tpu.vector_load %arg7[%parallel_loop3A_10] {strides = array<i32>} : memref<20096xi32, #tpu.memory_space<vmem>>, vector<16xi32>,
      %parallel_loop3A_12 = arith.index_cast %parallel_loop3A_9 : i32 to index
      %parallel_loop3A_13 = tpu.vector_load %arg8[%parallel_loop3A_12] {strides = array<i32>} : memref<20096xi32, #tpu.memory_space<vmem>>, vector<16xi32>,
      %parallel_loop3A_14 = arith.constant 0 : i32
      %parallel_loop3A_15 = vector.broadcast %parallel_loop3A_14 : i32 to vector<16xi32>
      %parallel_loop3A_16 = tpu.vector_load_idx %arg9[%parallel_loop3A_15, %parallel_loop3A_11] : memref<3x10112xf32, #tpu.memory_space<vmem>>[vector<16xi32>, vector<16xi32>], vector<16xf32>,
      tpu.vector_store_idx %arg10[%parallel_loop3A_15, %parallel_loop3A_13], %parallel_loop3A_16 {add = true} : memref<3x10112xf32, #tpu.memory_space<vmem>>[vector<16xi32>, vector<16xi32>], vector<16xf32>,
      %parallel_loop3A_17 = arith.constant 1 : i32
      %parallel_loop3A_18 = vector.broadcast %parallel_loop3A_17 : i32 to vector<16xi32>
      %parallel_loop3A_19 = tpu.vector_load_idx %arg9[%parallel_loop3A_18, %parallel_loop3A_11] : memref<3x10112xf32, #tpu.memory_space<vmem>>[vector<16xi32>, vector<16xi32>], vector<16xf32>,
      tpu.vector_store_idx %arg10[%parallel_loop3A_18, %parallel_loop3A_13], %parallel_loop3A_19 {add = true} : memref<3x10112xf32, #tpu.memory_space<vmem>>[vector<16xi32>, vector<16xi32>], vector<16xf32>,
      %parallel_loop3A_20 = arith.constant 2 : i32
      %parallel_loop3A_21 = vector.broadcast %parallel_loop3A_20 : i32 to vector<16xi32>
      %parallel_loop3A_22 = tpu.vector_load_idx %arg9[%parallel_loop3A_21, %parallel_loop3A_11] : memref<3x10112xf32, #tpu.memory_space<vmem>>[vector<16xi32>, vector<16xi32>], vector<16xf32>,
      tpu.vector_store_idx %arg10[%parallel_loop3A_21, %parallel_loop3A_13], %parallel_loop3A_22 {add = true} : memref<3x10112xf32, #tpu.memory_space<vmem>>[vector<16xi32>, vector<16xi32>], vector<16xf32>,
    } {sc.loop_unroll_factor = 8 : i64, sc.parallel_access}
    "tpu.region"() ({
      %run_scoped3A = tpu.sem_alloc : memref<!tpu.dma_semaphore, #tpu.memory_space<semaphore_mem>>
      %dma_start3A = arith.constant 0 : i32
      %dma_start3A_7 = arith.constant 0 : i32
      %dma_start3A_8 = tpu.memref_slice %arg6[%add3A, %dma_start3A, %dma_start3A_7] : memref<32x3x10112xf32, #tpu.memory_space<hbm>> -> memref<1x3x10112xf32, #tpu.memory_space<hbm>>
      %dma_start3A_9 = tpu.memref_squeeze %dma_start3A_8 : memref<1x3x10112xf32, #tpu.memory_space<hbm>> -> memref<3x10112xf32, #tpu.memory_space<hbm>>
      %dma_start3A_10 = arith.constant 0 : i32
      %dma_start3A_11 = arith.constant 0 : i32
      %dma_start3A_12 = tpu.memref_slice %arg6[%add3A, %dma_start3A_10, %dma_start3A_11] : memref<32x3x10112xf32, #tpu.memory_space<hbm>> -> memref<1x3x10112xf32, #tpu.memory_space<hbm>>
      %dma_start3A_13 = tpu.memref_squeeze %dma_start3A_12 : memref<1x3x10112xf32, #tpu.memory_space<hbm>> -> memref<3x10112xf32, #tpu.memory_space<hbm>>
      tpu.enqueue_dma source(%arg10 : memref<3x10112xf32, #tpu.memory_space<vmem>>) target(%dma_start3A_13 : memref<3x10112xf32, #tpu.memory_space<hbm>>) target_semaphore(%run_scoped3A : memref<!tpu.dma_semaphore, #tpu.memory_space<semaphore_mem>>)
      %dma_wait3A = arith.constant 0 : i32
      %dma_wait3A_14 = arith.constant 0 : i32
      %dma_wait3A_15 = tpu.memref_slice %arg6[%add3A, %dma_wait3A, %dma_wait3A_14] : memref<32x3x10112xf32, #tpu.memory_space<hbm>> -> memref<1x3x10112xf32, #tpu.memory_space<hbm>>
      %dma_wait3A_16 = tpu.memref_squeeze %dma_wait3A_15 : memref<1x3x10112xf32, #tpu.memory_space<hbm>> -> memref<3x10112xf32, #tpu.memory_space<hbm>>
      %dma_wait3A_17 = arith.constant 0 : i32
      %dma_wait3A_18 = arith.constant 0 : i32
      %dma_wait3A_19 = tpu.memref_slice %arg6[%add3A, %dma_wait3A_17, %dma_wait3A_18] : memref<32x3x10112xf32, #tpu.memory_space<hbm>> -> memref<1x3x10112xf32, #tpu.memory_space<hbm>>
      %dma_wait3A_20 = tpu.memref_squeeze %dma_wait3A_19 : memref<1x3x10112xf32, #tpu.memory_space<hbm>> -> memref<3x10112xf32, #tpu.memory_space<hbm>>
      tpu.wait_dma2 semaphore(%run_scoped3A : memref<!tpu.dma_semaphore, #tpu.memory_space<semaphore_mem>>) src(%arg10 : memref<3x10112xf32, #tpu.memory_space<vmem>>) dst(%dma_wait3A_20 : memref<3x10112xf32, #tpu.memory_space<hbm>>)
      tpu.yield
    }) : () -> ()
    return
  }
}

#map = affine_map<(d0, d1) -> (0)>
#map1 = affine_map<(d0, d1) -> (0, 0)>
#map2 = affine_map<(d0, d1) -> (0, 0, 0)>
module attributes {stable_mosaic.version = 14 : i64} {
  func.func @_edge_kernel(%arg0: i32, %arg1: i32, %arg2: memref<643072xi32, #tpu.memory_space<hbm>>, %arg3: memref<643072xi32, #tpu.memory_space<hbm>>, %arg4: memref<2x10112xf32, #tpu.memory_space<hbm>>, %arg5: memref<2x10112xf32, #tpu.memory_space<hbm>>, %arg6: memref<32x2x10112xf32, #tpu.memory_space<hbm>>, %arg7: memref<20096xi32, #tpu.memory_space<vmem>>, %arg8: memref<20096xi32, #tpu.memory_space<vmem>>, %arg9: memref<2x10112xf32, #tpu.memory_space<vmem>>, %arg10: memref<2x10112xf32, #tpu.memory_space<vmem>>) attributes {dimension_semantics = [#tpu.dimension_semantics<core_parallel>, #tpu.dimension_semantics<subcore_parallel>], iteration_bounds = array<i64: 2, 16>, scalar_prefetch = 0 : i64, scratch_operands = 4 : i64, tpu.core_type = #tpu.core_type<sc_vector_subcore>, window_params = [{transform_indices = #map}, {transform_indices = #map}, {transform_indices = #map1}, {transform_indices = #map1}, {transform_indices = #map2}]} {
    %mul3A = arith.constant 16 : i32
    %mul3A_0 = arith.muli %arg0, %mul3A : i32
    %add3A = arith.addi %mul3A_0, %arg1 : i32
    "tpu.region"() ({
      %run_scoped3A = tpu.sem_alloc : memref<!tpu.dma_semaphore, #tpu.memory_space<semaphore_mem>>
      tpu.enqueue_dma source(%arg5 : memref<2x10112xf32, #tpu.memory_space<hbm>>) target(%arg10 : memref<2x10112xf32, #tpu.memory_space<vmem>>) target_semaphore(%run_scoped3A : memref<!tpu.dma_semaphore, #tpu.memory_space<semaphore_mem>>)
      tpu.wait_dma2 semaphore(%run_scoped3A : memref<!tpu.dma_semaphore, #tpu.memory_space<semaphore_mem>>) src(%arg5 : memref<2x10112xf32, #tpu.memory_space<hbm>>) dst(%arg10 : memref<2x10112xf32, #tpu.memory_space<vmem>>)
      tpu.yield
    }) : () -> ()
    "tpu.region"() ({
      %run_scoped3A = tpu.sem_alloc : memref<!tpu.dma_semaphore, #tpu.memory_space<semaphore_mem>>
      tpu.enqueue_dma source(%arg4 : memref<2x10112xf32, #tpu.memory_space<hbm>>) target(%arg9 : memref<2x10112xf32, #tpu.memory_space<vmem>>) target_semaphore(%run_scoped3A : memref<!tpu.dma_semaphore, #tpu.memory_space<semaphore_mem>>)
      tpu.wait_dma2 semaphore(%run_scoped3A : memref<!tpu.dma_semaphore, #tpu.memory_space<semaphore_mem>>) src(%arg4 : memref<2x10112xf32, #tpu.memory_space<hbm>>) dst(%arg9 : memref<2x10112xf32, #tpu.memory_space<vmem>>)
      tpu.yield
    }) : () -> ()
    %mul3A_1 = arith.constant 20096 : i32
    %mul3A_2 = arith.muli %add3A, %mul3A_1 : i32
    "tpu.region"() ({
      %run_scoped3A = tpu.sem_alloc : memref<!tpu.dma_semaphore, #tpu.memory_space<semaphore_mem>>
      %dma_start3A = tpu.memref_slice %arg2[%mul3A_2] : memref<643072xi32, #tpu.memory_space<hbm>> -> memref<20096xi32, #tpu.memory_space<hbm>>
      %dma_start3A_7 = tpu.memref_slice %arg2[%mul3A_2] : memref<643072xi32, #tpu.memory_space<hbm>> -> memref<20096xi32, #tpu.memory_space<hbm>>
      tpu.enqueue_dma source(%dma_start3A_7 : memref<20096xi32, #tpu.memory_space<hbm>>) target(%arg7 : memref<20096xi32, #tpu.memory_space<vmem>>) target_semaphore(%run_scoped3A : memref<!tpu.dma_semaphore, #tpu.memory_space<semaphore_mem>>)
      %dma_wait3A = tpu.memref_slice %arg2[%mul3A_2] : memref<643072xi32, #tpu.memory_space<hbm>> -> memref<20096xi32, #tpu.memory_space<hbm>>
      %dma_wait3A_8 = tpu.memref_slice %arg2[%mul3A_2] : memref<643072xi32, #tpu.memory_space<hbm>> -> memref<20096xi32, #tpu.memory_space<hbm>>
      tpu.wait_dma2 semaphore(%run_scoped3A : memref<!tpu.dma_semaphore, #tpu.memory_space<semaphore_mem>>) src(%dma_wait3A_8 : memref<20096xi32, #tpu.memory_space<hbm>>) dst(%arg7 : memref<20096xi32, #tpu.memory_space<vmem>>)
      tpu.yield
    }) : () -> ()
    %mul3A_3 = arith.constant 20096 : i32
    %mul3A_4 = arith.muli %add3A, %mul3A_3 : i32
    "tpu.region"() ({
      %run_scoped3A = tpu.sem_alloc : memref<!tpu.dma_semaphore, #tpu.memory_space<semaphore_mem>>
      %dma_start3A = tpu.memref_slice %arg3[%mul3A_4] : memref<643072xi32, #tpu.memory_space<hbm>> -> memref<20096xi32, #tpu.memory_space<hbm>>
      %dma_start3A_7 = tpu.memref_slice %arg3[%mul3A_4] : memref<643072xi32, #tpu.memory_space<hbm>> -> memref<20096xi32, #tpu.memory_space<hbm>>
      tpu.enqueue_dma source(%dma_start3A_7 : memref<20096xi32, #tpu.memory_space<hbm>>) target(%arg8 : memref<20096xi32, #tpu.memory_space<vmem>>) target_semaphore(%run_scoped3A : memref<!tpu.dma_semaphore, #tpu.memory_space<semaphore_mem>>)
      %dma_wait3A = tpu.memref_slice %arg3[%mul3A_4] : memref<643072xi32, #tpu.memory_space<hbm>> -> memref<20096xi32, #tpu.memory_space<hbm>>
      %dma_wait3A_8 = tpu.memref_slice %arg3[%mul3A_4] : memref<643072xi32, #tpu.memory_space<hbm>> -> memref<20096xi32, #tpu.memory_space<hbm>>
      tpu.wait_dma2 semaphore(%run_scoped3A : memref<!tpu.dma_semaphore, #tpu.memory_space<semaphore_mem>>) src(%dma_wait3A_8 : memref<20096xi32, #tpu.memory_space<hbm>>) dst(%arg8 : memref<20096xi32, #tpu.memory_space<vmem>>)
      tpu.yield
    }) : () -> ()
    %parallel_loop3A = arith.constant 0 : i32
    %parallel_loop3A_5 = arith.constant 1256 : i32
    %parallel_loop3A_6 = arith.constant 1 : i32
    scf.for %parallel_loop3A_7 = %parallel_loop3A to %parallel_loop3A_5 step %parallel_loop3A_6  : i32 {
      %parallel_loop3A_8 = arith.constant 16 : i32
      %parallel_loop3A_9 = arith.muli %parallel_loop3A_7, %parallel_loop3A_8 : i32
      %parallel_loop3A_10 = arith.index_cast %parallel_loop3A_9 : i32 to index
      %parallel_loop3A_11 = tpu.vector_load %arg7[%parallel_loop3A_10] {strides = array<i32>} : memref<20096xi32, #tpu.memory_space<vmem>>, vector<16xi32>,
      %parallel_loop3A_12 = arith.index_cast %parallel_loop3A_9 : i32 to index
      %parallel_loop3A_13 = tpu.vector_load %arg8[%parallel_loop3A_12] {strides = array<i32>} : memref<20096xi32, #tpu.memory_space<vmem>>, vector<16xi32>,
      %parallel_loop3A_14 = arith.constant 0 : i32
      %parallel_loop3A_15 = vector.broadcast %parallel_loop3A_14 : i32 to vector<16xi32>
      %parallel_loop3A_16 = tpu.vector_load_idx %arg9[%parallel_loop3A_15, %parallel_loop3A_11] : memref<2x10112xf32, #tpu.memory_space<vmem>>[vector<16xi32>, vector<16xi32>], vector<16xf32>,
      tpu.vector_store_idx %arg10[%parallel_loop3A_15, %parallel_loop3A_13], %parallel_loop3A_16 {add = true} : memref<2x10112xf32, #tpu.memory_space<vmem>>[vector<16xi32>, vector<16xi32>], vector<16xf32>,
      %parallel_loop3A_17 = arith.constant 1 : i32
      %parallel_loop3A_18 = vector.broadcast %parallel_loop3A_17 : i32 to vector<16xi32>
      %parallel_loop3A_19 = tpu.vector_load_idx %arg9[%parallel_loop3A_18, %parallel_loop3A_11] : memref<2x10112xf32, #tpu.memory_space<vmem>>[vector<16xi32>, vector<16xi32>], vector<16xf32>,
      tpu.vector_store_idx %arg10[%parallel_loop3A_18, %parallel_loop3A_13], %parallel_loop3A_19 {add = true} : memref<2x10112xf32, #tpu.memory_space<vmem>>[vector<16xi32>, vector<16xi32>], vector<16xf32>,
    } {sc.loop_unroll_factor = 8 : i64, sc.parallel_access}
    "tpu.region"() ({
      %run_scoped3A = tpu.sem_alloc : memref<!tpu.dma_semaphore, #tpu.memory_space<semaphore_mem>>
      %dma_start3A = arith.constant 0 : i32
      %dma_start3A_7 = arith.constant 0 : i32
      %dma_start3A_8 = tpu.memref_slice %arg6[%add3A, %dma_start3A, %dma_start3A_7] : memref<32x2x10112xf32, #tpu.memory_space<hbm>> -> memref<1x2x10112xf32, #tpu.memory_space<hbm>>
      %dma_start3A_9 = tpu.memref_squeeze %dma_start3A_8 : memref<1x2x10112xf32, #tpu.memory_space<hbm>> -> memref<2x10112xf32, #tpu.memory_space<hbm>>
      %dma_start3A_10 = arith.constant 0 : i32
      %dma_start3A_11 = arith.constant 0 : i32
      %dma_start3A_12 = tpu.memref_slice %arg6[%add3A, %dma_start3A_10, %dma_start3A_11] : memref<32x2x10112xf32, #tpu.memory_space<hbm>> -> memref<1x2x10112xf32, #tpu.memory_space<hbm>>
      %dma_start3A_13 = tpu.memref_squeeze %dma_start3A_12 : memref<1x2x10112xf32, #tpu.memory_space<hbm>> -> memref<2x10112xf32, #tpu.memory_space<hbm>>
      tpu.enqueue_dma source(%arg10 : memref<2x10112xf32, #tpu.memory_space<vmem>>) target(%dma_start3A_13 : memref<2x10112xf32, #tpu.memory_space<hbm>>) target_semaphore(%run_scoped3A : memref<!tpu.dma_semaphore, #tpu.memory_space<semaphore_mem>>)
      %dma_wait3A = arith.constant 0 : i32
      %dma_wait3A_14 = arith.constant 0 : i32
      %dma_wait3A_15 = tpu.memref_slice %arg6[%add3A, %dma_wait3A, %dma_wait3A_14] : memref<32x2x10112xf32, #tpu.memory_space<hbm>> -> memref<1x2x10112xf32, #tpu.memory_space<hbm>>
      %dma_wait3A_16 = tpu.memref_squeeze %dma_wait3A_15 : memref<1x2x10112xf32, #tpu.memory_space<hbm>> -> memref<2x10112xf32, #tpu.memory_space<hbm>>
      %dma_wait3A_17 = arith.constant 0 : i32
      %dma_wait3A_18 = arith.constant 0 : i32
      %dma_wait3A_19 = tpu.memref_slice %arg6[%add3A, %dma_wait3A_17, %dma_wait3A_18] : memref<32x2x10112xf32, #tpu.memory_space<hbm>> -> memref<1x2x10112xf32, #tpu.memory_space<hbm>>
      %dma_wait3A_20 = tpu.memref_squeeze %dma_wait3A_19 : memref<1x2x10112xf32, #tpu.memory_space<hbm>> -> memref<2x10112xf32, #tpu.memory_space<hbm>>
      tpu.wait_dma2 semaphore(%run_scoped3A : memref<!tpu.dma_semaphore, #tpu.memory_space<semaphore_mem>>) src(%arg10 : memref<2x10112xf32, #tpu.memory_space<vmem>>) dst(%dma_wait3A_20 : memref<2x10112xf32, #tpu.memory_space<hbm>>)
      tpu.yield
    }) : () -> ()
    return
  }
}

#map = affine_map<(d0, d1) -> (0)>
#map1 = affine_map<(d0, d1) -> (0, 0)>
module attributes {stable_mosaic.version = 14 : i64} {
  func.func @_deg_kernel(%arg0: i32, %arg1: i32, %arg2: memref<643072xi32, #tpu.memory_space<hbm>>, %arg3: memref<10112xf32, #tpu.memory_space<hbm>>, %arg4: memref<32x10112xf32, #tpu.memory_space<hbm>>, %arg5: memref<20096xi32, #tpu.memory_space<vmem>>, %arg6: memref<10112xf32, #tpu.memory_space<vmem>>) attributes {dimension_semantics = [#tpu.dimension_semantics<core_parallel>, #tpu.dimension_semantics<subcore_parallel>], iteration_bounds = array<i64: 2, 16>, scalar_prefetch = 0 : i64, scratch_operands = 2 : i64, tpu.core_type = #tpu.core_type<sc_vector_subcore>, window_params = [{transform_indices = #map}, {transform_indices = #map}, {transform_indices = #map1}]} {
    %mul3A = arith.constant 16 : i32
    %mul3A_0 = arith.muli %arg0, %mul3A : i32
    %add3A = arith.addi %mul3A_0, %arg1 : i32
    "tpu.region"() ({
      %run_scoped3A = tpu.sem_alloc : memref<!tpu.dma_semaphore, #tpu.memory_space<semaphore_mem>>
      tpu.enqueue_dma source(%arg3 : memref<10112xf32, #tpu.memory_space<hbm>>) target(%arg6 : memref<10112xf32, #tpu.memory_space<vmem>>) target_semaphore(%run_scoped3A : memref<!tpu.dma_semaphore, #tpu.memory_space<semaphore_mem>>)
      tpu.wait_dma2 semaphore(%run_scoped3A : memref<!tpu.dma_semaphore, #tpu.memory_space<semaphore_mem>>) src(%arg3 : memref<10112xf32, #tpu.memory_space<hbm>>) dst(%arg6 : memref<10112xf32, #tpu.memory_space<vmem>>)
      tpu.yield
    }) : () -> ()
    %mul3A_1 = arith.constant 20096 : i32
    %mul3A_2 = arith.muli %add3A, %mul3A_1 : i32
    "tpu.region"() ({
      %run_scoped3A = tpu.sem_alloc : memref<!tpu.dma_semaphore, #tpu.memory_space<semaphore_mem>>
      %dma_start3A = tpu.memref_slice %arg2[%mul3A_2] : memref<643072xi32, #tpu.memory_space<hbm>> -> memref<20096xi32, #tpu.memory_space<hbm>>
      %dma_start3A_6 = tpu.memref_slice %arg2[%mul3A_2] : memref<643072xi32, #tpu.memory_space<hbm>> -> memref<20096xi32, #tpu.memory_space<hbm>>
      tpu.enqueue_dma source(%dma_start3A_6 : memref<20096xi32, #tpu.memory_space<hbm>>) target(%arg5 : memref<20096xi32, #tpu.memory_space<vmem>>) target_semaphore(%run_scoped3A : memref<!tpu.dma_semaphore, #tpu.memory_space<semaphore_mem>>)
      %dma_wait3A = tpu.memref_slice %arg2[%mul3A_2] : memref<643072xi32, #tpu.memory_space<hbm>> -> memref<20096xi32, #tpu.memory_space<hbm>>
      %dma_wait3A_7 = tpu.memref_slice %arg2[%mul3A_2] : memref<643072xi32, #tpu.memory_space<hbm>> -> memref<20096xi32, #tpu.memory_space<hbm>>
      tpu.wait_dma2 semaphore(%run_scoped3A : memref<!tpu.dma_semaphore, #tpu.memory_space<semaphore_mem>>) src(%dma_wait3A_7 : memref<20096xi32, #tpu.memory_space<hbm>>) dst(%arg5 : memref<20096xi32, #tpu.memory_space<vmem>>)
      tpu.yield
    }) : () -> ()
    %broadcast_in_dim3A = arith.constant 1.000000e+00 : f32
    %broadcast_in_dim3A_3 = vector.broadcast %broadcast_in_dim3A : f32 to vector<16xf32>
    %parallel_loop3A = arith.constant 0 : i32
    %parallel_loop3A_4 = arith.constant 1256 : i32
    %parallel_loop3A_5 = arith.constant 1 : i32
    scf.for %parallel_loop3A_6 = %parallel_loop3A to %parallel_loop3A_4 step %parallel_loop3A_5  : i32 {
      %parallel_loop3A_7 = arith.constant 16 : i32
      %parallel_loop3A_8 = arith.muli %parallel_loop3A_6, %parallel_loop3A_7 : i32
      %parallel_loop3A_9 = arith.index_cast %parallel_loop3A_8 : i32 to index
      %parallel_loop3A_10 = tpu.vector_load %arg5[%parallel_loop3A_9] {strides = array<i32>} : memref<20096xi32, #tpu.memory_space<vmem>>, vector<16xi32>,
      tpu.vector_store_idx %arg6[%parallel_loop3A_10], %broadcast_in_dim3A_3 {add = true} : memref<10112xf32, #tpu.memory_space<vmem>>[vector<16xi32>], vector<16xf32>,
    } {sc.loop_unroll_factor = 8 : i64, sc.parallel_access}
    "tpu.region"() ({
      %run_scoped3A = tpu.sem_alloc : memref<!tpu.dma_semaphore, #tpu.memory_space<semaphore_mem>>
      %dma_start3A = arith.constant 0 : i32
      %dma_start3A_6 = tpu.memref_slice %arg4[%add3A, %dma_start3A] : memref<32x10112xf32, #tpu.memory_space<hbm>> -> memref<1x10112xf32, #tpu.memory_space<hbm>>
      %dma_start3A_7 = tpu.memref_squeeze %dma_start3A_6 : memref<1x10112xf32, #tpu.memory_space<hbm>> -> memref<10112xf32, #tpu.memory_space<hbm>>
      %dma_start3A_8 = arith.constant 0 : i32
      %dma_start3A_9 = tpu.memref_slice %arg4[%add3A, %dma_start3A_8] : memref<32x10112xf32, #tpu.memory_space<hbm>> -> memref<1x10112xf32, #tpu.memory_space<hbm>>
      %dma_start3A_10 = tpu.memref_squeeze %dma_start3A_9 : memref<1x10112xf32, #tpu.memory_space<hbm>> -> memref<10112xf32, #tpu.memory_space<hbm>>
      tpu.enqueue_dma source(%arg6 : memref<10112xf32, #tpu.memory_space<vmem>>) target(%dma_start3A_10 : memref<10112xf32, #tpu.memory_space<hbm>>) target_semaphore(%run_scoped3A : memref<!tpu.dma_semaphore, #tpu.memory_space<semaphore_mem>>)
      %dma_wait3A = arith.constant 0 : i32
      %dma_wait3A_11 = tpu.memref_slice %arg4[%add3A, %dma_wait3A] : memref<32x10112xf32, #tpu.memory_space<hbm>> -> memref<1x10112xf32, #tpu.memory_space<hbm>>
      %dma_wait3A_12 = tpu.memref_squeeze %dma_wait3A_11 : memref<1x10112xf32, #tpu.memory_space<hbm>> -> memref<10112xf32, #tpu.memory_space<hbm>>
      %dma_wait3A_13 = arith.constant 0 : i32
      %dma_wait3A_14 = tpu.memref_slice %arg4[%add3A, %dma_wait3A_13] : memref<32x10112xf32, #tpu.memory_space<hbm>> -> memref<1x10112xf32, #tpu.memory_space<hbm>>
      %dma_wait3A_15 = tpu.memref_squeeze %dma_wait3A_14 : memref<1x10112xf32, #tpu.memory_space<hbm>> -> memref<10112xf32, #tpu.memory_space<hbm>>
      tpu.wait_dma2 semaphore(%run_scoped3A : memref<!tpu.dma_semaphore, #tpu.memory_space<semaphore_mem>>) src(%arg6 : memref<10112xf32, #tpu.memory_space<vmem>>) dst(%dma_wait3A_15 : memref<10112xf32, #tpu.memory_space<hbm>>)
      tpu.yield
    }) : () -> ()
    return
  }
}

module attributes {stable_mosaic.version = 14 : i64} {
  func.func @_prep_body(%arg0: memref<32x1x10112xf32, #tpu.memory_space<vmem>>, %arg1: memref<2x10112xf32, #tpu.memory_space<vmem>>, %arg2: memref<1x10112xf32, #tpu.memory_space<vmem>>, %arg3: memref<2x10112xf32, #tpu.memory_space<vmem>>) attributes {dimension_semantics = [], scalar_prefetch = 0 : i64, scratch_operands = 0 : i64, tpu.core_type = #tpu.core_type<tc>} {
    %get3A = arith.constant 0 : index
    %get3A_0 = arith.constant 0 : index
    %get3A_1 = arith.constant 0 : index
    %get3A_2 = vector.load %arg0[%get3A, %get3A_0, %get3A_1] : memref<32x1x10112xf32, #tpu.memory_space<vmem>>, vector<32x1x10112xf32>
    %reduce_sum3A = arith.constant dense<0.000000e+00> : vector<1x10112xf32>
    %reduce_sum3A_3 = vector.multi_reduction <add>, %get3A_2, %reduce_sum3A [0] : vector<32x1x10112xf32> to vector<1x10112xf32>
    %add3A = arith.constant 1.000000e+00 : f32
    %add3A_4 = vector.broadcast %add3A : f32 to vector<1x10112xf32>
    %add3A_5 = arith.addf %reduce_sum3A_3, %add3A_4 : vector<1x10112xf32>
    %rsqrt3A = math.rsqrt %add3A_5 : vector<1x10112xf32>
    %swap3A = arith.constant 0 : index
    %swap3A_6 = arith.constant 0 : index
    %swap3A_7 = vector.load %arg2[%swap3A, %swap3A_6] : memref<1x10112xf32, #tpu.memory_space<vmem>>, vector<1x10112xf32>
    tpu.vector_store %arg2[%swap3A, %swap3A_6], %rsqrt3A {strides = array<i32>} : memref<1x10112xf32, #tpu.memory_space<vmem>>, vector<1x10112xf32>,
    %get3A_8 = arith.constant 0 : index
    %get3A_9 = arith.constant 0 : index
    %get3A_10 = vector.load %arg1[%get3A_8, %get3A_9] : memref<2x10112xf32, #tpu.memory_space<vmem>>, vector<2x10112xf32>
    %mul3A = vector.broadcast %rsqrt3A : vector<1x10112xf32> to vector<2x10112xf32>
    %mul3A_11 = arith.mulf %get3A_10, %mul3A : vector<2x10112xf32>
    %swap3A_12 = arith.constant 0 : index
    %swap3A_13 = arith.constant 0 : index
    %swap3A_14 = vector.load %arg3[%swap3A_12, %swap3A_13] : memref<2x10112xf32, #tpu.memory_space<vmem>>, vector<2x10112xf32>
    tpu.vector_store %arg3[%swap3A_12, %swap3A_13], %mul3A_11 {strides = array<i32>} : memref<2x10112xf32, #tpu.memory_space<vmem>>, vector<2x10112xf32>,
    return
  }
}

module attributes {stable_mosaic.version = 14 : i64} {
  func.func @_mid_body(%arg0: memref<32x2x10112xf32, #tpu.memory_space<vmem>>, %arg1: memref<2x10112xf32, #tpu.memory_space<vmem>>, %arg2: memref<1x10112xf32, #tpu.memory_space<vmem>>, %arg3: memref<64x2xf32, #tpu.memory_space<vmem>>, %arg4: memref<64x1xf32, #tpu.memory_space<vmem>>, %arg5: memref<3x64xf32, #tpu.memory_space<vmem>>, %arg6: memref<3x10112xf32, #tpu.memory_space<vmem>>) attributes {dimension_semantics = [], scalar_prefetch = 0 : i64, scratch_operands = 0 : i64, tpu.core_type = #tpu.core_type<tc>} {
    %get3A = arith.constant 0 : index
    %get3A_0 = arith.constant 0 : index
    %get3A_1 = arith.constant 0 : index
    %get3A_2 = vector.load %arg0[%get3A, %get3A_0, %get3A_1] : memref<32x2x10112xf32, #tpu.memory_space<vmem>>, vector<32x2x10112xf32>
    %reduce_sum3A = arith.constant dense<0.000000e+00> : vector<2x10112xf32>
    %reduce_sum3A_3 = vector.multi_reduction <add>, %get3A_2, %reduce_sum3A [0] : vector<32x2x10112xf32> to vector<2x10112xf32>
    %get3A_4 = arith.constant 0 : index
    %get3A_5 = arith.constant 0 : index
    %get3A_6 = vector.load %arg2[%get3A_4, %get3A_5] : memref<1x10112xf32, #tpu.memory_space<vmem>>, vector<1x10112xf32>
    %get3A_7 = arith.constant 0 : index
    %get3A_8 = arith.constant 0 : index
    %get3A_9 = vector.load %arg1[%get3A_7, %get3A_8] : memref<2x10112xf32, #tpu.memory_space<vmem>>, vector<2x10112xf32>
    %add3A = arith.addf %reduce_sum3A_3, %get3A_9 : vector<2x10112xf32>
    %mul3A = vector.broadcast %get3A_6 : vector<1x10112xf32> to vector<2x10112xf32>
    %mul3A_10 = arith.mulf %mul3A, %add3A : vector<2x10112xf32>
    %get3A_11 = arith.constant 0 : index
    %get3A_12 = arith.constant 0 : index
    %get3A_13 = vector.load %arg3[%get3A_11, %get3A_12] : memref<64x2xf32, #tpu.memory_space<vmem>>, vector<64x2xf32>
    %dot_general3A = arith.constant dense<0.000000e+00> : vector<64x10112xf32>
    %dot_general3A_14 = tpu.matmul %get3A_13, %mul3A_10, %dot_general3A {dimension_numbers = #tpu.dot_dimension_numbers<[1], [0], [0], [1], [0, 0, 1, 1], [], []>, transpose_lhs_hint = false} : vector<64x2xf32>, vector<2x10112xf32>, vector<64x10112xf32> -> vector<64x10112xf32>
    %get3A_15 = arith.constant 0 : index
    %get3A_16 = arith.constant 0 : index
    %get3A_17 = vector.load %arg4[%get3A_15, %get3A_16] : memref<64x1xf32, #tpu.memory_space<vmem>>, vector<64x1xf32>
    %add3A_18 = vector.broadcast %get3A_17 : vector<64x1xf32> to vector<64x10112xf32>
    %add3A_19 = arith.addf %dot_general3A_14, %add3A_18 : vector<64x10112xf32>
    %max3A = arith.constant 0.000000e+00 : f32
    %max3A_20 = vector.broadcast %max3A : f32 to vector<64x10112xf32>
    %max3A_21 = arith.maximumf %add3A_19, %max3A_20 : vector<64x10112xf32>
    %get3A_22 = arith.constant 0 : index
    %get3A_23 = arith.constant 0 : index
    %get3A_24 = vector.load %arg5[%get3A_22, %get3A_23] : memref<3x64xf32, #tpu.memory_space<vmem>>, vector<3x64xf32>
    %dot_general3A_25 = arith.constant dense<0.000000e+00> : vector<3x10112xf32>
    %dot_general3A_26 = tpu.matmul %get3A_24, %max3A_21, %dot_general3A_25 {dimension_numbers = #tpu.dot_dimension_numbers<[1], [0], [0], [1], [0, 0, 1, 1], [], []>, transpose_lhs_hint = false} : vector<3x64xf32>, vector<64x10112xf32>, vector<3x10112xf32> -> vector<3x10112xf32>
    %get3A_27 = arith.constant 0 : index
    %get3A_28 = arith.constant 0 : index
    %get3A_29 = vector.load %arg2[%get3A_27, %get3A_28] : memref<1x10112xf32, #tpu.memory_space<vmem>>, vector<1x10112xf32>
    %mul3A_30 = vector.broadcast %get3A_29 : vector<1x10112xf32> to vector<3x10112xf32>
    %mul3A_31 = arith.mulf %dot_general3A_26, %mul3A_30 : vector<3x10112xf32>
    %swap3A = arith.constant 0 : index
    %swap3A_32 = arith.constant 0 : index
    %swap3A_33 = vector.load %arg6[%swap3A, %swap3A_32] : memref<3x10112xf32, #tpu.memory_space<vmem>>, vector<3x10112xf32>
    tpu.vector_store %arg6[%swap3A, %swap3A_32], %mul3A_31 {strides = array<i32>} : memref<3x10112xf32, #tpu.memory_space<vmem>>, vector<3x10112xf32>,
    return
  }
}

module attributes {stable_mosaic.version = 14 : i64} {
  func.func @_tail_body(%arg0: memref<32x3x10112xf32, #tpu.memory_space<vmem>>, %arg1: memref<3x10112xf32, #tpu.memory_space<vmem>>, %arg2: memref<1x10112xf32, #tpu.memory_space<vmem>>, %arg3: memref<3x1xf32, #tpu.memory_space<vmem>>, %arg4: memref<10112x1xi32, #tpu.memory_space<vmem>>, %arg5: memref<3x64xf32, #tpu.memory_space<vmem>>) attributes {dimension_semantics = [], scalar_prefetch = 0 : i64, scratch_operands = 0 : i64, tpu.core_type = #tpu.core_type<tc>} {
    %get3A = arith.constant 0 : index
    %get3A_0 = arith.constant 0 : index
    %get3A_1 = arith.constant 0 : index
    %get3A_2 = vector.load %arg0[%get3A, %get3A_0, %get3A_1] : memref<32x3x10112xf32, #tpu.memory_space<vmem>>, vector<32x3x10112xf32>
    %reduce_sum3A = arith.constant dense<0.000000e+00> : vector<3x10112xf32>
    %reduce_sum3A_3 = vector.multi_reduction <add>, %get3A_2, %reduce_sum3A [0] : vector<32x3x10112xf32> to vector<3x10112xf32>
    %get3A_4 = arith.constant 0 : index
    %get3A_5 = arith.constant 0 : index
    %get3A_6 = vector.load %arg2[%get3A_4, %get3A_5] : memref<1x10112xf32, #tpu.memory_space<vmem>>, vector<1x10112xf32>
    %get3A_7 = arith.constant 0 : index
    %get3A_8 = arith.constant 0 : index
    %get3A_9 = vector.load %arg1[%get3A_7, %get3A_8] : memref<3x10112xf32, #tpu.memory_space<vmem>>, vector<3x10112xf32>
    %add3A = arith.addf %reduce_sum3A_3, %get3A_9 : vector<3x10112xf32>
    %mul3A = vector.broadcast %get3A_6 : vector<1x10112xf32> to vector<3x10112xf32>
    %mul3A_10 = arith.mulf %mul3A, %add3A : vector<3x10112xf32>
    %get3A_11 = arith.constant 0 : index
    %get3A_12 = arith.constant 0 : index
    %get3A_13 = vector.load %arg3[%get3A_11, %get3A_12] : memref<3x1xf32, #tpu.memory_space<vmem>>, vector<3x1xf32>
    %add3A_14 = vector.broadcast %get3A_13 : vector<3x1xf32> to vector<3x10112xf32>
    %add3A_15 = arith.addf %mul3A_10, %add3A_14 : vector<3x10112xf32>
    %iota3A = tpu.iota {dimensions = array<i32: 1>} : vector<10112x64xi32>
    %get3A_16 = arith.constant 0 : index
    %get3A_17 = arith.constant 0 : index
    %get3A_18 = vector.load %arg4[%get3A_16, %get3A_17] : memref<10112x1xi32, #tpu.memory_space<vmem>>, vector<10112x1xi32>
    %eq3A = vector.broadcast %get3A_18 : vector<10112x1xi32> to vector<10112x64xi32>
    %eq3A_19 = arith.cmpi eq, %eq3A, %iota3A : vector<10112x64xi32>
    %convert_element_type3A = arith.extui %eq3A_19 : vector<10112x64xi1> to vector<10112x64xi32>
    %convert_element_type3A_20 = arith.sitofp %convert_element_type3A : vector<10112x64xi32> to vector<10112x64xf32>
    %dot_general3A = arith.constant dense<0.000000e+00> : vector<3x64xf32>
    %dot_general3A_21 = tpu.matmul %add3A_15, %convert_element_type3A_20, %dot_general3A {dimension_numbers = #tpu.dot_dimension_numbers<[1], [0], [0], [1], [0, 0, 1, 1], [], []>, transpose_lhs_hint = false} : vector<3x10112xf32>, vector<10112x64xf32>, vector<3x64xf32> -> vector<3x64xf32>
    %reduce_sum3A_22 = arith.constant dense<0.000000e+00> : vector<64xf32>
    %reduce_sum3A_23 = vector.multi_reduction <add>, %convert_element_type3A_20, %reduce_sum3A_22 [0] : vector<10112x64xf32> to vector<64xf32>
    %broadcast_in_dim3A = vector.shape_cast %reduce_sum3A_23 : vector<64xf32> to vector<1x64xf32>
    %max3A = arith.constant 1.000000e+00 : f32
    %max3A_24 = vector.broadcast %max3A : f32 to vector<1x64xf32>
    %max3A_25 = arith.maximumf %broadcast_in_dim3A, %max3A_24 : vector<1x64xf32>
    %div3A = vector.broadcast %max3A_25 : vector<1x64xf32> to vector<3x64xf32>
    %div3A_26 = arith.divf %dot_general3A_21, %div3A : vector<3x64xf32>
    %reduce_max3A = arith.constant dense<0xFF800000> : vector<64xf32>
    %reduce_max3A_27 = vector.multi_reduction <maximumf>, %div3A_26, %reduce_max3A [0] : vector<3x64xf32> to vector<64xf32>
    %broadcast_in_dim3A_28 = vector.shape_cast %reduce_max3A_27 : vector<64xf32> to vector<1x64xf32>
    %sub3A = vector.broadcast %broadcast_in_dim3A_28 : vector<1x64xf32> to vector<3x64xf32>
    %sub3A_29 = arith.subf %div3A_26, %sub3A : vector<3x64xf32>
    %exp3A = math.exp %sub3A_29 : vector<3x64xf32>
    %reduce_sum3A_30 = arith.constant dense<0.000000e+00> : vector<64xf32>
    %reduce_sum3A_31 = vector.multi_reduction <add>, %exp3A, %reduce_sum3A_30 [0] : vector<3x64xf32> to vector<64xf32>
    %broadcast_in_dim3A_32 = vector.shape_cast %reduce_sum3A_31 : vector<64xf32> to vector<1x64xf32>
    %log3A = math.log %broadcast_in_dim3A_32 : vector<1x64xf32>
    %sub3A_33 = vector.broadcast %log3A : vector<1x64xf32> to vector<3x64xf32>
    %sub3A_34 = arith.subf %sub3A_29, %sub3A_33 : vector<3x64xf32>
    %swap3A = arith.constant 0 : index
    %swap3A_35 = arith.constant 0 : index
    %swap3A_36 = vector.load %arg5[%swap3A, %swap3A_35] : memref<3x64xf32, #tpu.memory_space<vmem>>, vector<3x64xf32>
    tpu.vector_store %arg5[%swap3A, %swap3A_35], %sub3A_34 {strides = array<i32>} : memref<3x64xf32, #tpu.memory_space<vmem>>, vector<3x64xf32>,
    return
  }
}

</mosaic_0001>

<sc_bundles>
// kernel: kernel.11.cloned.1.call-start
scs
__scs_entry_jumppad:
0x0: {  	(pc) =	sbr.rel $0x88, $3  }
0x1: {  	(tag) =	ssettag $0x0;
	lr =	simm.s32 $0x1  }
0x2: {  	[smem:$0x3F9A] =	sst lr;
	_ =	strace $0xD0000000  }
0x3: {  	_ = 	snop  }
0x4: {  	_ = 	snop  }
0x5: {  	_ = 	snop  }
0x6: {  	_ = 	snop  }
0x7: {  	_ = 	snop  }
__scs_overlays_trampoline_lowered:
0x8: {  	[smem:$0x3FA9] =	sst s0  }
0x9: {  	[smem:$0x3FAA] =	sst s1  }
0xa: {  	[smem:$0x3FAB] =	sst s2  }
0xb: {  	[smem:$0x3FAC] =	sst s3  }
0xc: {  	[smem:$0x3FAD] =	sst s4  }
0xd: {  	[smem:$0x3FAE] =	sst s5  }
0xe: {  	[smem:$0x3FAF] =	sst s6  }
0xf: {  	[smem:$0x3FB0] =	sst s7  }
0x10: {  	[smem:$0x3FB1] =	sst s8  }
0x11: {  	[smem:$0x3FB2] =	sst s9;
	s0 =	simm.s32 @!p0 $0x0  }
0x12: {  	s1 =	sld [smem:$0x3F98];
	s0 =	simm.s32 @p0 $0x1  }
0x13: {  	[smem:$0x3FB3] =	sst s0;
	s0 =	simm.s32 @!p1 $0x0  }
0x14: {  	s2 =	sld [smem:$0x3F97];
	s0 =	simm.s32 @p1 $0x1  }
0x15: {  	[smem:$0x3FB4] =	sst s0;
	s0 =	simm.s32 @!p2 $0x0  }
0x16: {  	s3 =	sld [smem:$0x3FDB];
	s0 =	simm.s32 @p2 $0x1  }
0x17: {  	s4 =	simm.s32 $0x1BF5;
	[smem:$0x3FB6] =	sst s0  }
0x18: {  	s0 =	sld [smem:$0x3F99];
	_ =	swait.ge [sflag:s4], $0x0  }
0x19: {  	s7 =	sld [smem:$0x3F9A]  }
0x1a: {  	s8 =	sadd.s32 $0xFFFFE003, lr  }
0x1b: {  	s9 =	sadd.s32 $0xFFFFFEF7, lr;
	s5 =	simm.s32 $0xFFFFFFFF;
	p2 =	slt.u32 s8, $0xFFFFF086  }
0x1c: {  	p1 =	slt.u32 s9, $0xF7A;
	s5 =	simm.s32 @!p2 $0x0  }
0x1d: {  	s5 =	simm.s32 @p1 $0x1;
	p0 =	seq.s32 s7, s2  }
0x1e: {  	s7 =	smul.u32 @!p0 $0xF7A, s2;
	p2 =	seq.s32 @!p0 s5, $0x0  }
0x1f: {  	s9 =	smul.u32 $0xF7A, s1;
	s8 =	simm.s32 @!p0 $0x1BF5;
	p2 =	por !p2, p0  }
0x20: {  	[sflag:s8] =	ssyncset.s32 @!p0 $0xFFFFF086;
	s6 =	sadd.s32 @!p0 s3, s7;
	s7 =	simm.s32 @!p0 $0x108  }
0x21: {  	s3 =	sadd.s32 s3, s9;
	s6 =	sadd.s32 @!p0 $0x88, s6;
	s7 =	simm.s32 @p2 $0x1082  }
0x22: {  	[simem:s7], [sflag:s8] =	dma.local @!p0 [hbm:s6], $0xF7A  }
0x23: {  	s9 =	sor.u32 $0xD0000000, s2;
	s6 =	simm.s32 $0x108;
	_ =	swait.ge @!p0 [sflag:s8], $0x0  }
0x24: {  	s3 =	sadd.s32 $0x88, s3;
	s6 =	simm.s32 @!p1 $0x1082;
	[sflag:s4] =	ssyncset.s32 $0xFFFFF086  }
0x25: {  	[simem:s6], [sflag:s4] =	dma.local [hbm:s3], $0xF7A  }
0x26: {  	[smem:$0x3F9A] =	sst s1;
	(tag) =	ssettag s2;
	_ =	strace s9  }
0x27: {  	s1 =	sld [smem:$0x3FAA]  }
0x28: {  	s2 =	sld [smem:$0x3FAB]  }
0x29: {  	s4 =	sld [smem:$0x3FAD]  }
0x2a: {  	p0 =	seq.s32 s5, $0x0;
	s5 =	sld [smem:$0x3FAE]  }
0x2b: {  	s6 =	sld [smem:$0x3FAF]  }
0x2c: {  	s7 =	sld [smem:$0x3FB0]  }
0x2d: {  	s3 =	simm.s32 $0x108;
	s8 =	sld [smem:$0x3FB1]  }
0x2e: {  	s3 =	simm.s32 @!p0 $0x1082;
	s9 =	sld [smem:$0x3FB2]  }
0x2f: {  	lr =	sadd.s32 s0, s3;
	s0 =	sld [smem:$0x3FA9]  }
0x30: {  	s3 =	sld [smem:$0x3FAC]  }
0x31: {  	[smem:$0x3FB5] =	sst s10  }
0x32: {  	s10 =	sld [smem:$0x3FB3];
	_ =	sdelay $0x3  }
0x33: {  	p0 =	seq.s32 s10, $0x1;
	s10 =	sld [smem:$0x3FB5];
	_ =	sdelay $0x3  }
0x34: {  	[smem:$0x3FB5] =	sst s10  }
0x35: {  	s10 =	sld [smem:$0x3FB4];
	_ =	sdelay $0x3  }
0x36: {  	p1 =	seq.s32 s10, $0x1;
	s10 =	sld [smem:$0x3FB5];
	_ =	sdelay $0x3  }
0x37: {  	[smem:$0x3FB5] =	sst s10  }
0x38: {  	s10 =	sld [smem:$0x3FB6]  }
0x39: {  	_ = 	snop;
	(pc) =	sbr.ind lr, $3  }
0x3a: {  	_ = 	snop  }
0x3b: {  	_ = 	snop  }
0x3c: {  	p2 =	seq.s32 s10, $0x1;
	s10 =	sld [smem:$0x3FB5]  }
0x3d: {  	_ =	shalt  }
0x3e: {  	_ =	shalt  }
0x3f: {  	_ =	shalt  }
0x40: {  	_ =	shalt  }
0x41: {  	_ =	shalt  }
0x42: {  	_ =	shalt  }
0x43: {  	_ =	shalt  }
0x44: {  	_ =	shalt  }
0x45: {  	_ =	shalt  }
0x46: {  	_ =	shalt  }
0x47: {  	_ =	shalt  }
0x48: {  	_ =	shalt  }
0x49: {  	_ =	shalt  }
0x4a: {  	_ =	shalt  }
0x4b: {  	_ =	shalt  }
0x4c: {  	_ =	shalt  }
0x4d: {  	_ =	shalt  }
0x4e: {  	_ =	shalt  }
0x4f: {  	_ =	shalt  }
0x50: {  	_ =	shalt  }
0x51: {  	_ =	shalt  }
0x52: {  	_ =	shalt  }
0x53: {  	_ =	shalt  }
0x54: {  	_ =	shalt  }
0x55: {  	_ =	shalt  }
0x56: {  	_ =	shalt  }
0x57: {  	_ =	shalt  }
0x58: {  	_ =	shalt  }
0x59: {  	_ =	shalt  }
0x5a: {  	_ =	shalt  }
0x5b: {  	_ =	shalt  }
0x5c: {  	_ =	shalt  }
0x5d: {  	_ =	shalt  }
0x5e: {  	_ =	shalt  }
0x5f: {  	_ =	shalt  }
0x60: {  	_ =	shalt  }
0x61: {  	_ =	shalt  }
0x62: {  	_ =	shalt  }
0x63: {  	_ =	shalt  }
0x64: {  	_ =	shalt  }
0x65: {  	_ =	shalt  }
0x66: {  	_ =	shalt  }
0x67: {  	_ =	shalt  }
0x68: {  	_ =	shalt  }
0x69: {  	_ =	shalt  }
0x6a: {  	_ =	shalt  }
0x6b: {  	_ =	shalt  }
0x6c: {  	_ =	shalt  }
0x6d: {  	_ =	shalt  }
0x6e: {  	_ =	shalt  }
0x6f: {  	_ =	shalt  }
0x70: {  	_ =	shalt  }
0x71: {  	_ =	shalt  }
0x72: {  	_ =	shalt  }
0x73: {  	_ =	shalt  }
0x74: {  	_ =	shalt  }
0x75: {  	_ =	shalt  }
0x76: {  	_ =	shalt  }
0x77: {  	_ =	shalt  }
0x78: {  	_ =	shalt  }
0x79: {  	_ =	shalt  }
0x7a: {  	_ =	shalt  }
0x7b: {  	_ =	shalt  }
0x7c: {  	_ =	shalt  }
0x7d: {  	_ =	shalt  }
0x7e: {  	_ =	shalt  }
0x7f: {  	_ =	shalt  }
0x80: {  	_ =	shalt  }
0x81: {  	_ =	shalt  }
0x82: {  	_ =	shalt  }
0x83: {  	_ =	shalt  }
0x84: {  	_ =	shalt  }
0x85: {  	_ =	shalt  }
0x86: {  	_ =	shalt  }
0x87: {  	_ =	shalt  }
.Lfunc_end0:
.L_simem_size_0:
called_computation.1_lowered:
.L_overlay_start_0:
0x88: {  	s2 =	sld [smem:$0x3FD9]  }
0x89: {  	s3 =	sld [smem:$0x3FFE];
	_ =	sdelay $0x1  }
0x8a: {  	s1 =	srdreg.scid  }
0x8b: {  	s0 =	sand.u32 $0x1, s1  }
0x8c: {  	s16 =	sshll.u32 s0, $0xA;
	s2 =	sadd.s32 s3, s2  }
0x8d: {  	s2 =	sadd.s32 s2, s16  }
0x8e: {  	[smem:$0x3FC1] =	sst s2  }
0x8f: {  	_ = 	snop  }
0x90: {  	(tm) =	ssettm $0x1  }
0x91: {  	s17 =	sld [smem:$0x3FFB];
	_ =	sdelay $0x3  }
0x92: {  	_ =	strace s17  }
0x93: {  	s2 =	sld [smem:$0x3FFC];
	_ =	sdelay $0x3  }
0x94: {  	_ =	strace s2  }
0x95: {  	s2 =	sld [smem:$0x3FFD];
	_ =	sdelay $0x3  }
0x96: {  	_ =	strace s2  }
0x97: {  	_ =	strace $0x8FFFFFFF  }
0x98: {  	s18 =	sld [smem:$0x3FDB];
	_ =	sdelay $0x1  }
0x99: {  	s19 =	simm.s32 $_scs_section_size  }
0x9a: {  	s4 =	simm.s32 $_size__tile_overlayer_lowered;
	s5 =	simm.s32 $_tile_overlayer_lowered  }
0x9b: {  	s22 =	simm.s32 $0x1BFF;
	s21 =	sshll.u32 s5, $0x1;
	s2 =	sadd.s32 s19, s18  }
0x9c: {  	s6 =	simm.s32 $0x0;
	s20 =	sshll.u32 s4, $0x1;
	s4 =	sadd.s32 s21, s2  }
0x9d: {  	[timem:s6], [sflag:s22] =	dma.local [hbm:s4], s20  }
0x9e: {  	_ =	swait.ge [sflag:s22], s20  }
0x9f: {  	s3 =	ssub.s32 $0x0, s20;
	[sflag:s22] =	ssyncset.done $0x0  }
0xa0: {  	[sflag:s22] =	ssyncadd.s32 s3;
	_ =	sdelay $0x1  }
0xa1: {  	s23 =	simm.s32 $0x1B8B  }
0xa2: {  	_ =	swait.ge [sflag:s23], $0x1  }
0xa3: {  	[sflag:s23] =	ssyncset.done $0x0  }
0xa4: {  	s25 =	simm.s32 $0x1B8E;
	s24 =	sld [smem:$0x3FFE];
	[sflag:s23] =	ssyncadd.s32 $0xFFFFFFFF  }
0xa5: {  	s26 =	simm.s32 $execute0_lowered;
	[smem:$0x3FD2] =	sst s25  }
0xa6: {  	s4 =	sshll.u32 s26, $0x1;
	_ =	strace $0x80000049;
	[dreg:$0x1] =	wrdreg $0xFFFFFFFF  }
0xa7: {  	s28 =	simm.s32 $_size_execute0_lowered;
	s2 =	sadd.s32 s2, s4;
	[dreg:$0x0] =	wrdreg $0x0  }
0xa8: {  	s4 =	sshll.u32 s28, $0x1;
	[dreg:$0x2] =	wrdreg s2  }
0xa9: {  	[dreg:$0x3] =	wrdreg s4  }
0xaa: {  	[dreg:$0x4] =	wrdreg $0xC0  }
0xab: {  	_ =	task [dreg:s6], $0x5FFFF  }
0xac: {  	[dreg:$0x1] =	wrdreg $0xFFFFFFFF  }
0xad: {  	[dreg:$0x0] =	wrdreg $0x60  }
0xae: {  	[dreg:$0x2] =	wrdreg s24  }
0xaf: {  	[dreg:$0x3] =	wrdreg $0x9  }
0xb0: {  	_ =	task.clear_ibuf [dreg:s6], $0x4FFFF;
	_ =	strace $0x90000049  }
0xb1: {  	s29 =	simm.s32 $0x9;
	_ =	strace $0x8000004B  }
0xb2: {  	_ =	swait.ge [sflag:s29], $0x1  }
0xb3: {  	[sflag:s29] =	ssyncadd.s32 $0xFFFFFFFF  }
0xb4: {  	_ =	strace $0x9000004B  }
0xb5: {  	_ =	sfence  }
0xb6: {  	s30 =	sld [smem:$0x0];
	_ =	sdelay $0x2  }
0xb7: {  	s31 =	sshll.u32 s1, $0xD;
	s1 =	sshrl.u32 s1, $0x2  }
0xb8: {  	s3 =	sand.u32 $0x4000, s31;
	s1 =	sadd.s32 s1, s30  }
0xb9: {  	s0 =	sor.u32 s3, s0;
	s1 =	sshll.u32 s1, $0x11  }
0xba: {  	s0 =	sor.u32 s1, s0  }
0xbb: {  	s0 =	sadd.s32 $0x8F2B, s0  }
0xbc: {  	[sflag:s0] =	ssyncadd.remote.s32 $0x1  }
0xbd: {  	_ =	sfence.sel $0xFFFF  }
0xbe: {  	[dreg:$0x0] =	wrdreg $0xFFFFFFFF;
	(pc) =	sbr.abs _section_cstart, $3  }
0xbf: {  	[dreg:$0x1] =	wrdreg $0xFFFFFFFF  }
0xc0: {  	_ =	task.clear_ibuf [dreg:s6], $0x2FFFF;
	_ =	strace $0x9FFFFFFF  }
0xc1: {  	(tm) =	ssettm $0x7FFFFFFF  }
tec
execute0_lowered:
.L_overlay_start_1:
0x0: {  	(tag) =	ssettag $0x1  }
0x1: {  	s0 =	srdreg.scid  }
0x2: {  	s5 =	rddreg [dreg:$0x0];
	s1 =	stileid.u32;
	s2 =	simm.s32 $0x0  }
0x3: {  	s10 =	simm.s32 $0x1;
	s11 =	simm.s32 $0x9D00;
	s3 =	sand.u32 $0x1, s0  }
0x4: {  	s12 =	simm.s32 $0x4E80;
	s0 =	rddreg [dreg:$0x1];
	s4 =	sshll.u32 s3, $0x4  }
0x5: {  	s13 =	simm.s32 $0x0;
	[smem:$0x7FF] =	sst s2;
	s4 =	sor.u32 s1, s4  }
0x6: {  	_ =	strace $0x8000004A;
	s8 =	ssub.s32 $0x2, s3;
	s6 =	smul.u32 $0x9D0, s4  }
0x7: {  	s3 =	sadd.s32 $0x15E00, s5;
	s9 =	sshrl.u32 s8, $0x1;
	s7 =	smul.u32 $0x9E0, s4  }
0x8: {  	s4 =	sadd.s32 $0x16800, s5;
	s8 =	ssub.s32 s8, s9;
	s9 =	simm.s32 $0xEC00  }
0x9: {  	s8 =	smax.u32 s8, $0x1;
	s6 =	sadd.s32 s6, s5;
	s7 =	sadd.s32 s7, s5  }
0xa: {  	s5 =	sadd.s32 $0x20200, s6;
	s6 =	sadd.s32 $0x2400, s6;
	s7 =	sadd.s32 $0x33C00, s7  }
.LBB2_1:
0xb: {  	[tilespmem:s9], [sflag:$0x1] =	stream.linear.gather [hbm4b:s4+s2], $0x4F00, $0x38;
	[tilespmem:$0x13B00] =	vst v63  }
0xc: {  	_ =	swait.ge [sflag:s10], $0x4F00  }
0xd: {  	[sflag:s10] =	ssyncset.done $0x0  }
0xe: {  	[sflag:s10] =	ssyncadd.s32 $0xFFFFB100  }
0xf: {  	[tilespmem:s11], [sflag:$0x1] =	stream.linear.gather [hbm4b:s3+s2], $0x4F00, $0x38;
	[tilespmem:$0x13B00] =	vst v63  }
0x10: {  	_ =	swait.ge [sflag:s10], $0x4F00  }
0x11: {  	[sflag:s10] =	ssyncset.done $0x0  }
0x12: {  	[sflag:s10] =	ssyncadd.s32 $0xFFFFB100  }
0x13: {  	[tilespmem:s2], [sflag:$0x1] =	stream.linear.gather [hbm4b:s5+s2], $0x4E80, $0x38;
	[tilespmem:$0x13B00] =	vst v63  }
0x14: {  	_ =	swait.ge [sflag:s10], $0x4E80  }
0x15: {  	[sflag:s10] =	ssyncset.done $0x0  }
0x16: {  	[sflag:s10] =	ssyncadd.s32 $0xFFFFB180  }
0x17: {  	[tilespmem:s12], [sflag:$0x1] =	stream.linear.gather [hbm4b:s6+s2], $0x4E80, $0x38;
	[tilespmem:$0x13B00] =	vst v63  }
0x18: {  	_ =	swait.ge [sflag:s10], $0x4E80  }
0x19: {  	[sflag:s10] =	ssyncset.done $0x0  }
0x1a: {  	s14 =	simm.s32 $0x40;
	[sflag:s10] =	ssyncadd.s32 $0xFFFFB180  }
0x1b: {  	v0 =	vld [tilespmem:s14+$0xFFFFFFC0]  }
0x1c: {  	v1 =	vld [tilespmem:s14+$0x30]  }
0x1d: {  	v8 =	vld [tilespmem:s14+$0xFFFFFFF0]  }
0x1e: {  	v9 =	vld [tilespmem:s14+$0x0]  }
0x1f: {  	v12 =	vld [tilespmem:s14+$0x20]  }
0x20: {  	v3 =	vld [tilespmem:s14+$0xFFFFFFD0];
	_ =	sdelay $0x1  }
0x21: {  	s15 =	simm.s32 $0x4EC0  }
0x22: {  	v2 =	vld [tilespmem:s15+$0x30];
	v6 =	vshll.u32 v0, $0x1;
	v0 =	vand.u32 $0x7F, v0;
	v7 =	vshll.u32 v1, $0x1  }
0x23: {  	v4 =	vld [tilespmem:s15+$0xFFFFFFC0];
	v14 =	vshll.u32 v9, $0x1;
	v17 =	vshll.u32 v12, $0x1;
	v18 =	vshll.u32 v8, $0x1  }
0x24: {  	v9 =	vand.u32 $0x7F, v9;
	v19 =	vshll.u32 v3, $0x1;
	v6 =	vand.u32 $0xFFFFFF00, v6  }
0x25: {  	v10 =	vld [tilespmem:s14+$0x10];
	v6 =	vor.u32 v0, v6;
	v0 =	vand.u32 $0x7F, v1;
	v1 =	vand.u32 $0xFFFFFF00, v7  }
0x26: {  	v3 =	vand.u32 $0x7F, v3;
	v12 =	vand.u32 $0x7F, v12;
	v11 =	vor.u32 v0, v1  }
0x27: {  	v5 =	vld [tilespmem:s14+$0xFFFFFFE0];
	v8 =	vand.u32 $0x7F, v8;
	v19 =	vand.u32 $0xFFFFFF00, v19;
	v17 =	vand.u32 $0xFFFFFF00, v17  }
0x28: {  	v16 =	vld [tilespmem:s15+$0xFFFFFFD0];
	v7 =	vshll.u32 v4, $0x1;
	v4 =	vand.u32 $0x7F, v4;
	v0 =	vshll.u32 v2, $0x1  }
0x29: {  	v20 =	vld [tilespmem:s15+$0x0];
	v7 =	vand.u32 $0xFFFFFF00, v7;
	v2 =	vand.u32 $0x7F, v2;
	v0 =	vand.u32 $0xFFFFFF00, v0  }
0x2a: {  	v13 =	vor.u32 v4, v7;
	v0 =	vor.u32 v2, v0;
	v2 =	vshll.u32 v10, $0x1;
	v4 =	vld.idx.msk [tilespmem:v6+s11+$0x0], $0xffff  }
0x2b: {  	v18 =	vand.u32 $0xFFFFFF00, v18;
	v10 =	vand.u32 $0x7F, v10;
	v2 =	vand.u32 $0xFFFFFF00, v2;
	v15 =	vld.idx.msk [tilespmem:v11+s11+$0x0], $0xffff  }
0x2c: {  	v14 =	vand.u32 $0xFFFFFF00, v14;
	v6 =	vor.u32 $0x80, v6;
	v2 =	vor.u32 v10, v2;
	v10 =	vld [tilespmem:s15+$0x10]  }
0x2d: {  	v3 =	vor.u32 v3, v19;
	v19 =	vld [tilespmem:s15+$0x20];
	v21 =	vor.u32 v12, v17;
	v9 =	vor.u32 v9, v14  }
0x2e: {  	v12 =	vshll.u32 v5, $0x1;
	v5 =	vand.u32 $0x7F, v5;
	v14 =	vshll.u32 v20, $0x1;
	v1 =	vld [tilespmem:s15+$0xFFFFFFE0]  }
0x2f: {  	v20 =	vand.u32 $0x7F, v20;
	v22 =	vor.u32 $0x80, v11;
	v17 =	vor.u32 $0x80, v13;
	[tilespmem:v13+s9+$0x0] =	vst.idx.add.f32.msk $0xffff, v4  }
0x30: {  	v11 =	vand.u32 $0xFFFFFF00, v14;
	v4 =	vor.u32 v8, v18;
	v8 =	vand.u32 $0xFFFFFF00, v12;
	[tilespmem:v0+s9+$0x0] =	vst.idx.add.f32.msk $0xffff, v15  }
0x31: {  	v11 =	vor.u32 v20, v11;
	v15 =	vld.idx.msk [tilespmem:v6+s11+$0x0], $0xffff;
	v6 =	vor.u32 v5, v8;
	v5 =	vshll.u32 v10, $0x1  }
0x32: {  	v23 =	vld.idx.msk [tilespmem:v9+s11+$0x0], $0xffff;
	v12 =	vand.u32 $0x7F, v10;
	v13 =	vshll.u32 v19, $0x1;
	v5 =	vand.u32 $0xFFFFFF00, v5  }
0x33: {  	v7 =	vld [tilespmem:s15+$0xFFFFFFF0];
	v19 =	vand.u32 $0x7F, v19;
	v5 =	vor.u32 v12, v5;
	v12 =	vand.u32 $0xFFFFFF00, v13  }
0x34: {  	v18 =	vld.idx.msk [tilespmem:v21+s11+$0x0], $0xffff;
	v12 =	vor.u32 v19, v12  }
0x35: {  	v8 =	vld.idx.msk [tilespmem:v2+s11+$0x0], $0xffff  }
0x36: {  	v10 =	vld.idx.msk [tilespmem:v3+s11+$0x0], $0xffff  }
0x37: {  	[tilespmem:v11+s9+$0x0] =	vst.idx.add.f32.msk $0xffff, v23  }
0x38: {  	v13 =	vld.idx.msk [tilespmem:v4+s11+$0x0], $0xffff  }
0x39: {  	[tilespmem:v12+s9+$0x0] =	vst.idx.add.f32.msk $0xffff, v18;
	v18 =	vor.u32 $0x80, v21  }
0x3a: {  	v14 =	vld.idx.msk [tilespmem:v6+s11+$0x0], $0xffff  }
0x3b: {  	[tilespmem:v5+s9+$0x0] =	vst.idx.add.f32.msk $0xffff, v8;
	v8 =	vshll.u32 v16, $0x1  }
0x3c: {  	[tilespmem:v17+s9+$0x0] =	vst.idx.add.f32.msk $0xffff, v15;
	v17 =	vand.u32 $0x7F, v16;
	v8 =	vand.u32 $0xFFFFFF00, v8  }
0x3d: {  	s16 =	simm.s32 $0x0;
	v15 =	vld.idx.msk [tilespmem:v22+s11+$0x0], $0xffff;
	v16 =	vshll.u32 v1, $0x1;
	v8 =	vor.u32 v17, v8;
	v17 =	vshll.u32 v7, $0x1  }
.LBB2_2:
0x3e: {  	s16 =	sadd.s32 $0x8, s16;
	v18 =	vld.idx.msk [tilespmem:v18+s11+$0x0], $0xffff;
	s14 =	sadd.s32 $0x80, s14;
	s15 =	sadd.s32 $0x80, s15  }
0x3f: {  	v19 =	vld [tilespmem:s15+$0x30];
	p0 =	slt.u32 s16, $0x4E0  }
0x40: {  	v20 =	vld [tilespmem:s14+$0xFFFFFFD0]  }
0x41: {  	v21 =	vld [tilespmem:s14+$0xFFFFFFE0]  }
0x42: {  	v22 =	vld [tilespmem:s14+$0xFFFFFFF0]  }
0x43: {  	v16 =	vand.u32 $0xFFFFFF00, v16;
	v7 =	vand.u32 $0x7F, v7;
	v17 =	vand.u32 $0xFFFFFF00, v17;
	v23 =	vld [tilespmem:s14+$0x0]  }
0x44: {  	v1 =	vand.u32 $0x7F, v1;
	v7 =	vor.u32 v7, v17;
	v24 =	vld [tilespmem:s14+$0x10];
	v25 =	vshll.u32 v19, $0x1  }
0x45: {  	v1 =	vor.u32 v1, v16;
	v17 =	vld [tilespmem:s14+$0x20];
	v25 =	vand.u32 $0xFFFFFF00, v25  }
0x46: {  	v16 =	vld [tilespmem:s14+$0x30]  }
0x47: {  	v0 =	vor.u32 $0x80, v0;
	v26 =	vld [tilespmem:s14+$0xFFFFFFC0]  }
0x48: {  	v9 =	vor.u32 $0x80, v9;
	v27 =	vld [tilespmem:s15+$0xFFFFFFC0]  }
0x49: {  	v4 =	vor.u32 $0x80, v4;
	[tilespmem:v7+s9+$0x0] =	vst.idx.add.f32.msk $0xffff, v13  }
0x4a: {  	v6 =	vor.u32 $0x80, v6;
	[tilespmem:v1+s9+$0x0] =	vst.idx.add.f32.msk $0xffff, v14  }
0x4b: {  	v3 =	vor.u32 $0x80, v3;
	v2 =	vor.u32 $0x80, v2;
	[tilespmem:v8+s9+$0x0] =	vst.idx.add.f32.msk $0xffff, v10  }
0x4c: {  	[tilespmem:v0+s9+$0x0] =	vst.idx.add.f32.msk $0xffff, v15  }
0x4d: {  	v10 =	vor.u32 $0x80, v12;
	v0 =	vshll.u32 v27, $0x1;
	v9 =	vld.idx.msk [tilespmem:v9+s11+$0x0], $0xffff  }
0x4e: {  	v11 =	vor.u32 $0x80, v11;
	v12 =	vand.u32 $0xFFFFFF00, v0;
	v4 =	vld.idx.msk [tilespmem:v4+s11+$0x0], $0xffff  }
0x4f: {  	v7 =	vor.u32 $0x80, v7;
	v6 =	vld.idx.msk [tilespmem:v6+s11+$0x0], $0xffff  }
0x50: {  	v1 =	vor.u32 $0x80, v1;
	v3 =	vld.idx.msk [tilespmem:v3+s11+$0x0], $0xffff  }
0x51: {  	v5 =	vor.u32 $0x80, v5;
	v8 =	vor.u32 $0x80, v8;
	v0 =	vand.u32 $0x7F, v19;
	v2 =	vld.idx.msk [tilespmem:v2+s11+$0x0], $0xffff  }
0x52: {  	v0 =	vor.u32 v0, v25;
	[tilespmem:v10+s9+$0x0] =	vst.idx.add.f32.msk $0xffff, v18  }
0x53: {  	v13 =	vshll.u32 v26, $0x1;
	v14 =	vand.u32 $0x7F, v27;
	v10 =	vand.u32 $0x7F, v26;
	[tilespmem:v11+s9+$0x0] =	vst.idx.add.f32.msk $0xffff, v9  }
0x54: {  	v9 =	vand.u32 $0xFFFFFF00, v13;
	v11 =	vor.u32 v14, v12;
	v12 =	vshll.u32 v16, $0x1;
	[tilespmem:v7+s9+$0x0] =	vst.idx.add.f32.msk $0xffff, v4  }
0x55: {  	v4 =	vor.u32 v10, v9;
	v7 =	vand.u32 $0x7F, v16;
	v9 =	vand.u32 $0xFFFFFF00, v12;
	[tilespmem:v1+s9+$0x0] =	vst.idx.add.f32.msk $0xffff, v6  }
0x56: {  	v10 =	vor.u32 $0x80, v4;
	v1 =	vshll.u32 v24, $0x1;
	v12 =	vor.u32 v7, v9;
	[tilespmem:v8+s9+$0x0] =	vst.idx.add.f32.msk $0xffff, v3  }
0x57: {  	v7 =	vshll.u32 v17, $0x1;
	v3 =	vshll.u32 v23, $0x1;
	v6 =	vand.u32 $0xFFFFFF00, v1;
	[tilespmem:v5+s9+$0x0] =	vst.idx.add.f32.msk $0xffff, v2  }
0x58: {  	v8 =	vand.u32 $0x7F, v24;
	v2 =	vshll.u32 v22, $0x1;
	v5 =	vand.u32 $0x7F, v23;
	v1 =	vld [tilespmem:s15+$0xFFFFFFE0]  }
0x59: {  	v15 =	vand.u32 $0x7F, v17;
	v9 =	vshll.u32 v21, $0x1;
	v14 =	vand.u32 $0xFFFFFF00, v2;
	v13 =	vld [tilespmem:s15+$0xFFFFFFD0]  }
0x5a: {  	v16 =	vand.u32 $0xFFFFFF00, v7;
	v2 =	vshll.u32 v20, $0x1;
	v17 =	vld.idx.msk [tilespmem:v4+s11+$0x0], $0xffff;
	v4 =	vand.u32 $0x7F, v22  }
0x5b: {  	v19 =	vand.u32 $0xFFFFFF00, v9;
	v18 =	vand.u32 $0xFFFFFF00, v2;
	v2 =	vor.u32 v8, v6;
	v22 =	vld.idx.msk [tilespmem:v12+s11+$0x0], $0xffff  }
0x5c: {  	v9 =	vand.u32 $0xFFFFFF00, v3;
	v6 =	vand.u32 $0x7F, v20;
	v8 =	vand.u32 $0x7F, v21;
	v7 =	vld [tilespmem:s15+$0xFFFFFFF0]  }
0x5d: {  	v9 =	vor.u32 v5, v9;
	v3 =	vor.u32 v6, v18;
	v4 =	vor.u32 v4, v14;
	v14 =	vld [tilespmem:s15+$0x0]  }
0x5e: {  	v15 =	vor.u32 v15, v16;
	v6 =	vor.u32 v8, v19;
	v5 =	vshll.u32 v13, $0x1;
	v18 =	vld [tilespmem:s15+$0x10]  }
0x5f: {  	v16 =	vshll.u32 v1, $0x1;
	v8 =	vand.u32 $0x7F, v13;
	v5 =	vand.u32 $0xFFFFFF00, v5;
	v19 =	vld [tilespmem:s15+$0x20]  }
0x60: {  	[tilespmem:v11+s9+$0x0] =	vst.idx.add.f32.msk $0xffff, v17;
	v8 =	vor.u32 v8, v5  }
0x61: {  	v17 =	vshll.u32 v7, $0x1;
	[tilespmem:v0+s9+$0x0] =	vst.idx.add.f32.msk $0xffff, v22  }
0x62: {  	v20 =	vld.idx.msk [tilespmem:v10+s11+$0x0], $0xffff;
	v5 =	vshll.u32 v14, $0x1  }
0x63: {  	v21 =	vand.u32 $0xFFFFFF00, v5;
	v22 =	vld.idx.msk [tilespmem:v2+s11+$0x0], $0xffff;
	v5 =	vand.u32 $0x7F, v18;
	v13 =	vshll.u32 v18, $0x1  }
0x64: {  	v18 =	vor.u32 $0x80, v11;
	v10 =	vld.idx.msk [tilespmem:v3+s11+$0x0], $0xffff;
	v11 =	vand.u32 $0xFFFFFF00, v13;
	v13 =	vshll.u32 v19, $0x1  }
0x65: {  	v5 =	vor.u32 v5, v11;
	v23 =	vld.idx.msk [tilespmem:v15+s11+$0x0], $0xffff;
	v11 =	vand.u32 $0xFFFFFF00, v13  }
0x66: {  	v24 =	vor.u32 $0x80, v12;
	v19 =	vand.u32 $0x7F, v19;
	v13 =	vld.idx.msk [tilespmem:v4+s11+$0x0], $0xffff  }
0x67: {  	v26 =	vand.u32 $0x7F, v14;
	v12 =	vor.u32 v19, v11;
	v25 =	vld.idx.msk [tilespmem:v9+s11+$0x0], $0xffff  }
0x68: {  	v11 =	vor.u32 v26, v21;
	v14 =	vld.idx.msk [tilespmem:v6+s11+$0x0], $0xffff  }
.Ltmp0:
0x69: {  	[tilespmem:v18+s9+$0x0] =	vst.idx.add.f32.msk $0xffff, v20;
	v18 =	vor.u32 $0x80, v15;
	(pc) =	sbr.rel @p0 .LBB2_2-.Ltmp0, $4  }
0x6a: {  	[tilespmem:v5+s9+$0x0] =	vst.idx.add.f32.msk $0xffff, v22  }
0x6b: {  	v15 =	vld.idx.msk [tilespmem:v24+s11+$0x0], $0xffff  }
0x6c: {  	[tilespmem:v12+s9+$0x0] =	vst.idx.add.f32.msk $0xffff, v23  }
0x6d: {  	[tilespmem:v11+s9+$0x0] =	vst.idx.add.f32.msk $0xffff, v25  }
0x6e: {  	_ = 	snop  }
0x6f: {  	v0 =	vor.u32 $0x80, v0  }
0x70: {  	v9 =	vor.u32 $0x80, v9  }
0x71: {  	v3 =	vor.u32 $0x80, v3  }
0x72: {  	v59 =	vld.idx.msk [tilespmem:v18+s11+$0x0], $0xffff;
	v2 =	vor.u32 $0x80, v2  }
0x73: {  	v7 =	vand.u32 $0x7F, v7;
	v17 =	vand.u32 $0xFFFFFF00, v17;
	[tilespmem:v8+s9+$0x0] =	vst.idx.add.f32.msk $0xffff, v10;
	v61 =	vor.u32 $0x80, v12  }
0x74: {  	v16 =	vand.u32 $0xFFFFFF00, v16;
	v1 =	vand.u32 $0x7F, v1;
	v7 =	vor.u32 v7, v17;
	[tilespmem:v0+s9+$0x0] =	vst.idx.add.f32.msk $0xffff, v15  }
0x75: {  	v1 =	vor.u32 v1, v16;
	v60 =	vld.idx.msk [tilespmem:v9+s11+$0x0], $0xffff  }
0x76: {  	v4 =	vor.u32 $0x80, v4;
	v3 =	vld.idx.msk [tilespmem:v3+s11+$0x0], $0xffff  }
0x77: {  	v6 =	vor.u32 $0x80, v6;
	v2 =	vld.idx.msk [tilespmem:v2+s11+$0x0], $0xffff  }
0x78: {  	v62 =	vor.u32 $0x80, v11;
	[tilespmem:v61+s9+$0x0] =	vst.idx.add.f32.msk $0xffff, v59  }
0x79: {  	v63 =	vor.u32 $0x80, v8;
	[tilespmem:v7+s9+$0x0] =	vst.idx.add.f32.msk $0xffff, v13  }
0x7a: {  	v5 =	vor.u32 $0x80, v5;
	[tilespmem:v1+s9+$0x0] =	vst.idx.add.f32.msk $0xffff, v14  }
0x7b: {  	v7 =	vor.u32 $0x80, v7;
	v4 =	vld.idx.msk [tilespmem:v4+s11+$0x0], $0xffff  }
0x7c: {  	v1 =	vor.u32 $0x80, v1;
	v6 =	vld.idx.msk [tilespmem:v6+s11+$0x0], $0xffff  }
0x7d: {  	[tilespmem:v62+s9+$0x0] =	vst.idx.add.f32.msk $0xffff, v60  }
0x7e: {  	[tilespmem:v63+s9+$0x0] =	vst.idx.add.f32.msk $0xffff, v3  }
0x7f: {  	s13 =	sadd.s32 $0x1, s13;
	[tilespmem:v5+s9+$0x0] =	vst.idx.add.f32.msk $0xffff, v2  }
0x80: {  	p0 =	sne.s32 s13, s8;
	[tilespmem:v7+s9+$0x0] =	vst.idx.add.f32.msk $0xffff, v4  }
.Ltmp1:
0x81: {  	[tilespmem:v1+s9+$0x0] =	vst.idx.add.f32.msk $0xffff, v6;
	(pc) =	sbr.rel @p0 .LBB2_1-.Ltmp1, $4  }
0x82: {  	[hbm4b:s7+s2] =	stream.linear.scatter [tilespmem:s9], [sflag:$0x1], $0x4F00, $0x38;
	[tilespmem:$0x13B00] =	vst v63  }
0x83: {  	_ =	swait.ge [sflag:s10], $0x4F00  }
0x84: {  	[sflag:s10] =	ssyncset.done $0x0  }
0x85: {  	[sflag:s10] =	ssyncadd.s32 $0xFFFFB100  }
0x86: {  	_ =	sfence.sel $0x180000  }
0x87: {  	[bflag:$0x0] =	sbarrier.arrive $0xFFFF  }
0x88: {  	p0 =	sne.s32 s1, $0x0;
	_ =	strace $0x9000004A  }
0x89: {  	s0 =	sadd.s32 @!p0 $0x100000, s0;
	[bflag:$0x2] =	sbarrier.arrive $0xFFFF  }
0x8a: {  	[sflag:s0] =	ssyncadd.tile.s32 @!p0 $0x1;
	_ =	shalt  }
.Lfunc_end2:
_tile_overlayer_lowered:
.L_overlay_start_2:
0x8b: {  	(tag) =	ssettag $0x2  }
0x8c: {  	s0 =	rddreg [dreg:$0x0];
	s2 =	stileid.u32  }
0x8d: {  	s1 =	rddreg [dreg:$0x1];
	p0 =	sne.s32 s2, $0x0  }
0x8e: {  	s3 =	rddreg [dreg:$0x2];
	[bflag:$0x3] =	sbarrier.arrive $0xFFFF;
	s2 =	simm.s32 @!p0 $0x1C01  }
0x8f: {  	[timem:s3], [sflag:s2] =	dma.local @!p0 [hbm:s0], s1  }
0x90: {  	s0 =	simm.s32 @!p0 $0x1  }
0x91: {  	_ =	swait.ge @!p0 [sflag:s0], s1  }
0x92: {  	s1 =	ssub.s32 @!p0 $0x0, s1;
	[sflag:s0] =	ssyncset.done @!p0 $0x0  }
0x93: {  	[sflag:s0] =	ssyncadd.s32 @!p0 s1  }
0x94: {  	[bflag:$0x3] =	sbarrier.arrive $0xFFFF  }
0x95: {  	_ =	shalt  }

// kernel: kernel.14.cloned.1.call-start
scs
__scs_entry_jumppad:
0x0: {  	(pc) =	sbr.rel $0x88, $3  }
0x1: {  	(tag) =	ssettag $0x0;
	lr =	simm.s32 $0x1  }
0x2: {  	[smem:$0x3F9A] =	sst lr;
	_ =	strace $0xD0000000  }
0x3: {  	_ = 	snop  }
0x4: {  	_ = 	snop  }
0x5: {  	_ = 	snop  }
0x6: {  	_ = 	snop  }
0x7: {  	_ = 	snop  }
__scs_overlays_trampoline_lowered:
0x8: {  	[smem:$0x3FA9] =	sst s0  }
0x9: {  	[smem:$0x3FAA] =	sst s1  }
0xa: {  	[smem:$0x3FAB] =	sst s2  }
0xb: {  	[smem:$0x3FAC] =	sst s3  }
0xc: {  	[smem:$0x3FAD] =	sst s4  }
0xd: {  	[smem:$0x3FAE] =	sst s5  }
0xe: {  	[smem:$0x3FAF] =	sst s6  }
0xf: {  	[smem:$0x3FB0] =	sst s7  }
0x10: {  	[smem:$0x3FB1] =	sst s8  }
0x11: {  	[smem:$0x3FB2] =	sst s9;
	s0 =	simm.s32 @!p0 $0x0  }
0x12: {  	s1 =	sld [smem:$0x3F98];
	s0 =	simm.s32 @p0 $0x1  }
0x13: {  	[smem:$0x3FB3] =	sst s0;
	s0 =	simm.s32 @!p1 $0x0  }
0x14: {  	s2 =	sld [smem:$0x3F97];
	s0 =	simm.s32 @p1 $0x1  }
0x15: {  	[smem:$0x3FB4] =	sst s0;
	s0 =	simm.s32 @!p2 $0x0  }
0x16: {  	s3 =	sld [smem:$0x3FDB];
	s0 =	simm.s32 @p2 $0x1  }
0x17: {  	s4 =	simm.s32 $0x1BF5;
	[smem:$0x3FB6] =	sst s0  }
0x18: {  	s0 =	sld [smem:$0x3F99];
	_ =	swait.ge [sflag:s4], $0x0  }
0x19: {  	s7 =	sld [smem:$0x3F9A]  }
0x1a: {  	s8 =	sadd.s32 $0xFFFFE003, lr  }
0x1b: {  	s9 =	sadd.s32 $0xFFFFFEF7, lr;
	s5 =	simm.s32 $0xFFFFFFFF;
	p2 =	slt.u32 s8, $0xFFFFF086  }
0x1c: {  	p1 =	slt.u32 s9, $0xF7A;
	s5 =	simm.s32 @!p2 $0x0  }
0x1d: {  	s5 =	simm.s32 @p1 $0x1;
	p0 =	seq.s32 s7, s2  }
0x1e: {  	s7 =	smul.u32 @!p0 $0xF7A, s2;
	p2 =	seq.s32 @!p0 s5, $0x0  }
0x1f: {  	s9 =	smul.u32 $0xF7A, s1;
	s8 =	simm.s32 @!p0 $0x1BF5;
	p2 =	por !p2, p0  }
0x20: {  	[sflag:s8] =	ssyncset.s32 @!p0 $0xFFFFF086;
	s6 =	sadd.s32 @!p0 s3, s7;
	s7 =	simm.s32 @!p0 $0x108  }
0x21: {  	s3 =	sadd.s32 s3, s9;
	s6 =	sadd.s32 @!p0 $0x88, s6;
	s7 =	simm.s32 @p2 $0x1082  }
0x22: {  	[simem:s7], [sflag:s8] =	dma.local @!p0 [hbm:s6], $0xF7A  }
0x23: {  	s9 =	sor.u32 $0xD0000000, s2;
	s6 =	simm.s32 $0x108;
	_ =	swait.ge @!p0 [sflag:s8], $0x0  }
0x24: {  	s3 =	sadd.s32 $0x88, s3;
	s6 =	simm.s32 @!p1 $0x1082;
	[sflag:s4] =	ssyncset.s32 $0xFFFFF086  }
0x25: {  	[simem:s6], [sflag:s4] =	dma.local [hbm:s3], $0xF7A  }
0x26: {  	[smem:$0x3F9A] =	sst s1;
	(tag) =	ssettag s2;
	_ =	strace s9  }
0x27: {  	s1 =	sld [smem:$0x3FAA]  }
0x28: {  	s2 =	sld [smem:$0x3FAB]  }
0x29: {  	s4 =	sld [smem:$0x3FAD]  }
0x2a: {  	p0 =	seq.s32 s5, $0x0;
	s5 =	sld [smem:$0x3FAE]  }
0x2b: {  	s6 =	sld [smem:$0x3FAF]  }
0x2c: {  	s7 =	sld [smem:$0x3FB0]  }
0x2d: {  	s3 =	simm.s32 $0x108;
	s8 =	sld [smem:$0x3FB1]  }
0x2e: {  	s3 =	simm.s32 @!p0 $0x1082;
	s9 =	sld [smem:$0x3FB2]  }
0x2f: {  	lr =	sadd.s32 s0, s3;
	s0 =	sld [smem:$0x3FA9]  }
0x30: {  	s3 =	sld [smem:$0x3FAC]  }
0x31: {  	[smem:$0x3FB5] =	sst s10  }
0x32: {  	s10 =	sld [smem:$0x3FB3];
	_ =	sdelay $0x3  }
0x33: {  	p0 =	seq.s32 s10, $0x1;
	s10 =	sld [smem:$0x3FB5];
	_ =	sdelay $0x3  }
0x34: {  	[smem:$0x3FB5] =	sst s10  }
0x35: {  	s10 =	sld [smem:$0x3FB4];
	_ =	sdelay $0x3  }
0x36: {  	p1 =	seq.s32 s10, $0x1;
	s10 =	sld [smem:$0x3FB5];
	_ =	sdelay $0x3  }
0x37: {  	[smem:$0x3FB5] =	sst s10  }
0x38: {  	s10 =	sld [smem:$0x3FB6]  }
0x39: {  	_ = 	snop;
	(pc) =	sbr.ind lr, $3  }
0x3a: {  	_ = 	snop  }
0x3b: {  	_ = 	snop  }
0x3c: {  	p2 =	seq.s32 s10, $0x1;
	s10 =	sld [smem:$0x3FB5]  }
0x3d: {  	_ =	shalt  }
0x3e: {  	_ =	shalt  }
0x3f: {  	_ =	shalt  }
0x40: {  	_ =	shalt  }
0x41: {  	_ =	shalt  }
0x42: {  	_ =	shalt  }
0x43: {  	_ =	shalt  }
0x44: {  	_ =	shalt  }
0x45: {  	_ =	shalt  }
0x46: {  	_ =	shalt  }
0x47: {  	_ =	shalt  }
0x48: {  	_ =	shalt  }
0x49: {  	_ =	shalt  }
0x4a: {  	_ =	shalt  }
0x4b: {  	_ =	shalt  }
0x4c: {  	_ =	shalt  }
0x4d: {  	_ =	shalt  }
0x4e: {  	_ =	shalt  }
0x4f: {  	_ =	shalt  }
0x50: {  	_ =	shalt  }
0x51: {  	_ =	shalt  }
0x52: {  	_ =	shalt  }
0x53: {  	_ =	shalt  }
0x54: {  	_ =	shalt  }
0x55: {  	_ =	shalt  }
0x56: {  	_ =	shalt  }
0x57: {  	_ =	shalt  }
0x58: {  	_ =	shalt  }
0x59: {  	_ =	shalt  }
0x5a: {  	_ =	shalt  }
0x5b: {  	_ =	shalt  }
0x5c: {  	_ =	shalt  }
0x5d: {  	_ =	shalt  }
0x5e: {  	_ =	shalt  }
0x5f: {  	_ =	shalt  }
0x60: {  	_ =	shalt  }
0x61: {  	_ =	shalt  }
0x62: {  	_ =	shalt  }
0x63: {  	_ =	shalt  }
0x64: {  	_ =	shalt  }
0x65: {  	_ =	shalt  }
0x66: {  	_ =	shalt  }
0x67: {  	_ =	shalt  }
0x68: {  	_ =	shalt  }
0x69: {  	_ =	shalt  }
0x6a: {  	_ =	shalt  }
0x6b: {  	_ =	shalt  }
0x6c: {  	_ =	shalt  }
0x6d: {  	_ =	shalt  }
0x6e: {  	_ =	shalt  }
0x6f: {  	_ =	shalt  }
0x70: {  	_ =	shalt  }
0x71: {  	_ =	shalt  }
0x72: {  	_ =	shalt  }
0x73: {  	_ =	shalt  }
0x74: {  	_ =	shalt  }
0x75: {  	_ =	shalt  }
0x76: {  	_ =	shalt  }
0x77: {  	_ =	shalt  }
0x78: {  	_ =	shalt  }
0x79: {  	_ =	shalt  }
0x7a: {  	_ =	shalt  }
0x7b: {  	_ =	shalt  }
0x7c: {  	_ =	shalt  }
0x7d: {  	_ =	shalt  }
0x7e: {  	_ =	shalt  }
0x7f: {  	_ =	shalt  }
0x80: {  	_ =	shalt  }
0x81: {  	_ =	shalt  }
0x82: {  	_ =	shalt  }
0x83: {  	_ =	shalt  }
0x84: {  	_ =	shalt  }
0x85: {  	_ =	shalt  }
0x86: {  	_ =	shalt  }
0x87: {  	_ =	shalt  }
.Lfunc_end0:
.L_simem_size_0:
called_computation.2_lowered:
.L_overlay_start_0:
0x88: {  	s2 =	sld [smem:$0x3FD9]  }
0x89: {  	s3 =	sld [smem:$0x3FFE];
	_ =	sdelay $0x1  }
0x8a: {  	s1 =	srdreg.scid  }
0x8b: {  	s0 =	sand.u32 $0x1, s1  }
0x8c: {  	s16 =	sshll.u32 s0, $0xA;
	s2 =	sadd.s32 s3, s2  }
0x8d: {  	s2 =	sadd.s32 s2, s16  }
0x8e: {  	[smem:$0x3FC1] =	sst s2  }
0x8f: {  	_ = 	snop  }
0x90: {  	(tm) =	ssettm $0x1  }
0x91: {  	s17 =	sld [smem:$0x3FFB];
	_ =	sdelay $0x3  }
0x92: {  	_ =	strace s17  }
0x93: {  	s2 =	sld [smem:$0x3FFC];
	_ =	sdelay $0x3  }
0x94: {  	_ =	strace s2  }
0x95: {  	s2 =	sld [smem:$0x3FFD];
	_ =	sdelay $0x3  }
0x96: {  	_ =	strace s2  }
0x97: {  	_ =	strace $0x8FFFFFFF  }
0x98: {  	s18 =	sld [smem:$0x3FDB];
	_ =	sdelay $0x1  }
0x99: {  	s19 =	simm.s32 $_scs_section_size  }
0x9a: {  	s4 =	simm.s32 $_size__tile_overlayer_lowered;
	s5 =	simm.s32 $_tile_overlayer_lowered  }
0x9b: {  	s22 =	simm.s32 $0x1BFF;
	s21 =	sshll.u32 s5, $0x1;
	s2 =	sadd.s32 s19, s18  }
0x9c: {  	s6 =	simm.s32 $0x0;
	s20 =	sshll.u32 s4, $0x1;
	s4 =	sadd.s32 s21, s2  }
0x9d: {  	[timem:s6], [sflag:s22] =	dma.local [hbm:s4], s20  }
0x9e: {  	_ =	swait.ge [sflag:s22], s20  }
0x9f: {  	s3 =	ssub.s32 $0x0, s20;
	[sflag:s22] =	ssyncset.done $0x0  }
0xa0: {  	[sflag:s22] =	ssyncadd.s32 s3;
	_ =	sdelay $0x1  }
0xa1: {  	s23 =	simm.s32 $0x1B8B  }
0xa2: {  	_ =	swait.ge [sflag:s23], $0x1  }
0xa3: {  	[sflag:s23] =	ssyncset.done $0x0  }
0xa4: {  	s25 =	simm.s32 $0x1B8E;
	s24 =	sld [smem:$0x3FFE];
	[sflag:s23] =	ssyncadd.s32 $0xFFFFFFFF  }
0xa5: {  	s26 =	simm.s32 $execute0_lowered;
	[smem:$0x3FD2] =	sst s25  }
0xa6: {  	s4 =	sshll.u32 s26, $0x1;
	_ =	strace $0x8000004C;
	[dreg:$0x1] =	wrdreg $0xFFFFFFFF  }
0xa7: {  	s28 =	simm.s32 $_size_execute0_lowered;
	s2 =	sadd.s32 s2, s4;
	[dreg:$0x0] =	wrdreg $0x0  }
0xa8: {  	s4 =	sshll.u32 s28, $0x1;
	[dreg:$0x2] =	wrdreg s2  }
0xa9: {  	[dreg:$0x3] =	wrdreg s4  }
0xaa: {  	[dreg:$0x4] =	wrdreg $0xC0  }
0xab: {  	_ =	task [dreg:s6], $0x5FFFF  }
0xac: {  	[dreg:$0x1] =	wrdreg $0xFFFFFFFF  }
0xad: {  	[dreg:$0x0] =	wrdreg $0x60  }
0xae: {  	[dreg:$0x2] =	wrdreg s24  }
0xaf: {  	[dreg:$0x3] =	wrdreg $0x9  }
0xb0: {  	_ =	task.clear_ibuf [dreg:s6], $0x4FFFF;
	_ =	strace $0x9000004C  }
0xb1: {  	s29 =	simm.s32 $0x9;
	_ =	strace $0x8000004E  }
0xb2: {  	_ =	swait.ge [sflag:s29], $0x1  }
0xb3: {  	[sflag:s29] =	ssyncadd.s32 $0xFFFFFFFF  }
0xb4: {  	_ =	strace $0x9000004E  }
0xb5: {  	_ =	sfence  }
0xb6: {  	s30 =	sld [smem:$0x0];
	_ =	sdelay $0x2  }
0xb7: {  	s31 =	sshll.u32 s1, $0xD;
	s1 =	sshrl.u32 s1, $0x2  }
0xb8: {  	s3 =	sand.u32 $0x4000, s31;
	s1 =	sadd.s32 s1, s30  }
0xb9: {  	s0 =	sor.u32 s3, s0;
	s1 =	sshll.u32 s1, $0x11  }
0xba: {  	s0 =	sor.u32 s1, s0  }
0xbb: {  	s0 =	sadd.s32 $0x8F2B, s0  }
0xbc: {  	[sflag:s0] =	ssyncadd.remote.s32 $0x1  }
0xbd: {  	_ =	sfence.sel $0xFFFF  }
0xbe: {  	[dreg:$0x0] =	wrdreg $0xFFFFFFFF;
	(pc) =	sbr.abs _section_cstart, $3  }
0xbf: {  	[dreg:$0x1] =	wrdreg $0xFFFFFFFF  }
0xc0: {  	_ =	task.clear_ibuf [dreg:s6], $0x2FFFF;
	_ =	strace $0x9FFFFFFF  }
0xc1: {  	(tm) =	ssettm $0x7FFFFFFF  }
tec
execute0_lowered:
.L_overlay_start_1:
0x0: {  	(tag) =	ssettag $0x1  }
0x1: {  	s0 =	srdreg.scid  }
0x2: {  	s5 =	rddreg [dreg:$0x0];
	s1 =	stileid.u32;
	s2 =	simm.s32 $0x0  }
0x3: {  	s10 =	simm.s32 $0x1;
	s11 =	simm.s32 $0x9D00;
	s3 =	sand.u32 $0x1, s0  }
0x4: {  	s12 =	simm.s32 $0x4E80;
	s0 =	rddreg [dreg:$0x1];
	s4 =	sshll.u32 s3, $0x4  }
0x5: {  	s13 =	simm.s32 $0x0;
	[smem:$0x7FF] =	sst s2;
	s4 =	sor.u32 s1, s4  }
0x6: {  	_ =	strace $0x8000004D;
	s8 =	ssub.s32 $0x2, s3;
	s6 =	smul.u32 $0x9D0, s4  }
0x7: {  	s3 =	sadd.s32 $0x15E00, s5;
	s9 =	sshrl.u32 s8, $0x1;
	s7 =	smul.u32 $0x13C0, s4  }
0x8: {  	s4 =	sadd.s32 $0x17200, s5;
	s8 =	ssub.s32 s8, s9;
	s9 =	simm.s32 $0x13B00  }
0x9: {  	s8 =	smax.u32 s8, $0x1;
	s6 =	sadd.s32 s6, s5;
	s7 =	sadd.s32 s7, s5  }
0xa: {  	s5 =	sadd.s32 $0x20200, s6;
	s6 =	sadd.s32 $0x2400, s6;
	s7 =	sadd.s32 $0x33C00, s7  }
.LBB2_1:
0xb: {  	[tilespmem:s9], [sflag:$0x1] =	stream.linear.gather [hbm4b:s4+s2], $0x9E00, $0x38;
	[tilespmem:$0x1D900] =	vst v63  }
0xc: {  	_ =	swait.ge [sflag:s10], $0x9E00  }
0xd: {  	[sflag:s10] =	ssyncset.done $0x0  }
0xe: {  	[sflag:s10] =	ssyncadd.s32 $0xFFFF6200  }
0xf: {  	[tilespmem:s11], [sflag:$0x1] =	stream.linear.gather [hbm4b:s3+s2], $0x9E00, $0x38;
	[tilespmem:$0x1D900] =	vst v63  }
0x10: {  	_ =	swait.ge [sflag:s10], $0x9E00  }
0x11: {  	[sflag:s10] =	ssyncset.done $0x0  }
0x12: {  	[sflag:s10] =	ssyncadd.s32 $0xFFFF6200  }
0x13: {  	[tilespmem:s2], [sflag:$0x1] =	stream.linear.gather [hbm4b:s5+s2], $0x4E80, $0x38;
	[tilespmem:$0x1D900] =	vst v63  }
0x14: {  	_ =	swait.ge [sflag:s10], $0x4E80  }
0x15: {  	[sflag:s10] =	ssyncset.done $0x0  }
0x16: {  	[sflag:s10] =	ssyncadd.s32 $0xFFFFB180  }
0x17: {  	[tilespmem:s12], [sflag:$0x1] =	stream.linear.gather [hbm4b:s6+s2], $0x4E80, $0x38;
	[tilespmem:$0x1D900] =	vst v63  }
0x18: {  	_ =	swait.ge [sflag:s10], $0x4E80  }
0x19: {  	[sflag:s10] =	ssyncset.done $0x0  }
0x1a: {  	s14 =	simm.s32 $0x40;
	[sflag:s10] =	ssyncadd.s32 $0xFFFFB180  }
0x1b: {  	v0 =	vld [tilespmem:s14+$0xFFFFFFC0]  }
0x1c: {  	v1 =	vld [tilespmem:s14+$0x30]  }
0x1d: {  	s15 =	simm.s32 $0x4EC0;
	v8 =	vld [tilespmem:s14+$0xFFFFFFD0]  }
0x1e: {  	v3 =	vld [tilespmem:s15+$0x30]  }
0x1f: {  	v6 =	vld [tilespmem:s14+$0x20]  }
0x20: {  	v4 =	vld [tilespmem:s14+$0x10];
	v5 =	vshll.u32 v0, $0x2  }
0x21: {  	v10 =	vld [tilespmem:s14+$0xFFFFFFF0];
	v0 =	vand.u32 $0x7F, v0;
	v5 =	vand.u32 $0xFFFFFE00, v5  }
0x22: {  	v7 =	vshll.u32 v1, $0x2;
	v16 =	vshll.u32 v8, $0x2;
	v13 =	vor.u32 v0, v5;
	v5 =	vld [tilespmem:s14+$0x0]  }
0x23: {  	v2 =	vld [tilespmem:s15+$0xFFFFFFC0];
	v8 =	vand.u32 $0x7F, v8;
	v0 =	vand.u32 $0x7F, v1;
	v1 =	vand.u32 $0xFFFFFE00, v7  }
0x24: {  	v14 =	vld [tilespmem:s14+$0xFFFFFFE0];
	v7 =	vand.u32 $0x7F, v6;
	v6 =	vshll.u32 v6, $0x2;
	v0 =	vor.u32 v0, v1  }
0x25: {  	v15 =	vld [tilespmem:s15+$0x20];
	v1 =	vshll.u32 v4, $0x2;
	v4 =	vand.u32 $0x7F, v4;
	v6 =	vand.u32 $0xFFFFFE00, v6  }
0x26: {  	v12 =	vld [tilespmem:s15+$0xFFFFFFF0];
	v23 =	vor.u32 $0x80, v13;
	v1 =	vand.u32 $0xFFFFFE00, v1;
	v7 =	vor.u32 v7, v6  }
0x27: {  	v20 =	vld [tilespmem:s15+$0x10];
	v6 =	vand.u32 $0x7F, v10;
	v4 =	vor.u32 v4, v1;
	v9 =	vshll.u32 v5, $0x2  }
0x28: {  	v21 =	vld [tilespmem:s15+$0xFFFFFFE0];
	v1 =	vshll.u32 v10, $0x2;
	v5 =	vand.u32 $0x7F, v5;
	v9 =	vand.u32 $0xFFFFFE00, v9  }
0x29: {  	v11 =	vand.u32 $0xFFFFFE00, v1;
	v18 =	vld.idx.msk [tilespmem:v13+s11+$0x0], $0xffff;
	v1 =	vor.u32 v5, v9;
	v5 =	vshll.u32 v2, $0x2  }
0x2a: {  	v19 =	vld.idx.msk [tilespmem:v0+s11+$0x0], $0xffff;
	v2 =	vand.u32 $0x7F, v2;
	v10 =	vand.u32 $0xFFFFFE00, v5;
	v5 =	vor.u32 v6, v11  }
0x2b: {  	v9 =	vld [tilespmem:s15+$0xFFFFFFD0];
	v6 =	vand.u32 $0xFFFFFE00, v16;
	v16 =	vor.u32 v2, v10;
	v10 =	vshll.u32 v3, $0x2  }
0x2c: {  	v2 =	vor.u32 v8, v6;
	v6 =	vld [tilespmem:s15+$0x0];
	v3 =	vand.u32 $0x7F, v3;
	v8 =	vand.u32 $0xFFFFFE00, v10  }
0x2d: {  	v17 =	vshll.u32 v20, $0x2;
	v25 =	vld.idx.msk [tilespmem:v7+s11+$0x0], $0xffff;
	v10 =	vshll.u32 v14, $0x2;
	v11 =	vor.u32 v3, v8  }
0x2e: {  	v22 =	vld.idx.msk [tilespmem:v4+s11+$0x0], $0xffff;
	v3 =	vand.u32 $0xFFFFFE00, v17;
	v8 =	vand.u32 $0x7F, v20;
	v20 =	vor.u32 $0x80, v0  }
0x2f: {  	v14 =	vand.u32 $0x7F, v14;
	v10 =	vand.u32 $0xFFFFFE00, v10;
	v24 =	vld.idx.msk [tilespmem:v1+s11+$0x0], $0xffff;
	v8 =	vor.u32 v8, v3  }
0x30: {  	v3 =	vor.u32 v14, v10;
	[tilespmem:v16+s9+$0x0] =	vst.idx.add.f32.msk $0xffff, v18  }
0x31: {  	v18 =	vor.u32 $0x80, v4;
	v10 =	vshll.u32 v6, $0x2;
	v23 =	vld.idx.msk [tilespmem:v23+s11+$0x0], $0xffff  }
0x32: {  	v26 =	vor.u32 $0x80, v16;
	v6 =	vand.u32 $0x7F, v6;
	v10 =	vand.u32 $0xFFFFFE00, v10;
	[tilespmem:v11+s9+$0x0] =	vst.idx.add.f32.msk $0xffff, v19  }
0x33: {  	v10 =	vor.u32 v6, v10;
	v19 =	vld.idx.msk [tilespmem:v20+s11+$0x0], $0xffff  }
0x34: {  	v6 =	vshll.u32 v15, $0x2;
	v20 =	vor.u32 $0x80, v1;
	[tilespmem:v8+s9+$0x0] =	vst.idx.add.f32.msk $0xffff, v22  }
0x35: {  	v15 =	vand.u32 $0x7F, v15;
	v6 =	vand.u32 $0xFFFFFE00, v6;
	v22 =	vor.u32 $0x100, v13;
	v13 =	vld.idx.msk [tilespmem:v3+s11+$0x0], $0xffff  }
0x36: {  	v6 =	vor.u32 v15, v6;
	v18 =	vld.idx.msk [tilespmem:v18+s11+$0x0], $0xffff  }
0x37: {  	v15 =	vor.u32 $0x80, v7;
	[tilespmem:v26+s9+$0x0] =	vst.idx.add.f32.msk $0xffff, v23  }
0x38: {  	[tilespmem:v10+s9+$0x0] =	vst.idx.add.f32.msk $0xffff, v24  }
0x39: {  	v23 =	vld.idx.msk [tilespmem:v20+s11+$0x0], $0xffff  }
0x3a: {  	v24 =	vld.idx.msk [tilespmem:v22+s11+$0x0], $0xffff;
	v20 =	vshll.u32 v21, $0x2  }
0x3b: {  	v27 =	vand.u32 $0x7F, v21;
	v26 =	vor.u32 $0x80, v8;
	[tilespmem:v6+s9+$0x0] =	vst.idx.add.f32.msk $0xffff, v25;
	v28 =	vand.u32 $0xFFFFFE00, v20  }
0x3c: {  	v22 =	vld.idx.msk [tilespmem:v15+s11+$0x0], $0xffff;
	v15 =	vor.u32 v27, v28;
	_ =	sdelay $0x1  }
0x3d: {  	v17 =	vld.idx.msk [tilespmem:v5+s11+$0x0], $0xffff  }
0x3e: {  	v14 =	vld.idx.msk [tilespmem:v2+s11+$0x0], $0xffff;
	v25 =	vshll.u32 v12, $0x2  }
0x3f: {  	s16 =	simm.s32 $0x0;
	v20 =	vshll.u32 v9, $0x2;
	v21 =	vand.u32 $0xFFFFFE00, v25;
	[tilespmem:v26+s9+$0x0] =	vst.idx.add.f32.msk $0xffff, v18  }
.LBB2_2:
0x40: {  	s16 =	sadd.s32 $0x8, s16;
	[tilespmem:v15+s9+$0x0] =	vst.idx.add.f32.msk $0xffff, v13;
	s14 =	sadd.s32 $0x80, s14;
	s15 =	sadd.s32 $0x80, s15  }
0x41: {  	v13 =	vld [tilespmem:s15+$0x30];
	p0 =	slt.u32 s16, $0x4E0  }
0x42: {  	v18 =	vld [tilespmem:s15+$0xFFFFFFC0]  }
0x43: {  	v25 =	vld [tilespmem:s14+$0xFFFFFFD0]  }
0x44: {  	v27 =	vor.u32 $0x100, v16;
	v26 =	vld [tilespmem:s14+$0xFFFFFFE0]  }
0x45: {  	v28 =	vld [tilespmem:s14+$0x10]  }
0x46: {  	v12 =	vand.u32 $0x7F, v12;
	v16 =	vld [tilespmem:s14+$0xFFFFFFF0]  }
0x47: {  	v12 =	vor.u32 v12, v21;
	v29 =	vld [tilespmem:s14+$0xFFFFFFC0]  }
0x48: {  	v30 =	vor.u32 $0x80, v10;
	v21 =	vld [tilespmem:s14+$0x20]  }
0x49: {  	[tilespmem:v27+s9+$0x0] =	vst.idx.add.f32.msk $0xffff, v24;
	v24 =	vor.u32 $0x80, v5  }
0x4a: {  	v31 =	vor.u32 $0x80, v11;
	v27 =	vld [tilespmem:s14+$0x0]  }
0x4b: {  	v33 =	vor.u32 $0x80, v6;
	v32 =	vld [tilespmem:s14+$0x30]  }
0x4c: {  	v4 =	vor.u32 $0x100, v4;
	[tilespmem:v12+s9+$0x0] =	vst.idx.add.f32.msk $0xffff, v17  }
0x4d: {  	v7 =	vor.u32 $0x100, v7;
	[tilespmem:v30+s9+$0x0] =	vst.idx.add.f32.msk $0xffff, v23  }
0x4e: {  	v9 =	vand.u32 $0x7F, v9;
	v0 =	vor.u32 $0x100, v0;
	v17 =	vand.u32 $0xFFFFFE00, v20;
	v20 =	vld.idx.msk [tilespmem:v24+s11+$0x0], $0xffff  }
0x4f: {  	v9 =	vor.u32 v9, v17;
	[tilespmem:v31+s9+$0x0] =	vst.idx.add.f32.msk $0xffff, v19  }
0x50: {  	v17 =	vor.u32 $0x80, v2;
	[tilespmem:v33+s9+$0x0] =	vst.idx.add.f32.msk $0xffff, v22  }
0x51: {  	v19 =	vor.u32 $0x80, v3;
	v4 =	vld.idx.msk [tilespmem:v4+s11+$0x0], $0xffff  }
0x52: {  	v22 =	vor.u32 $0x80, v12;
	v7 =	vld.idx.msk [tilespmem:v7+s11+$0x0], $0xffff  }
0x53: {  	v5 =	vor.u32 $0x100, v5;
	v0 =	vld.idx.msk [tilespmem:v0+s11+$0x0], $0xffff  }
0x54: {  	v11 =	vor.u32 $0x100, v11;
	[tilespmem:v9+s9+$0x0] =	vst.idx.add.f32.msk $0xffff, v14  }
0x55: {  	v1 =	vor.u32 $0x100, v1;
	v14 =	vld.idx.msk [tilespmem:v17+s11+$0x0], $0xffff  }
0x56: {  	v17 =	vor.u32 $0x80, v9;
	v19 =	vld.idx.msk [tilespmem:v19+s11+$0x0], $0xffff  }
0x57: {  	v23 =	vor.u32 $0x80, v15;
	[tilespmem:v22+s9+$0x0] =	vst.idx.add.f32.msk $0xffff, v20  }
0x58: {  	v2 =	vor.u32 $0x100, v2;
	v3 =	vor.u32 $0x100, v3;
	v5 =	vld.idx.msk [tilespmem:v5+s11+$0x0], $0xffff  }
0x59: {  	[tilespmem:v11+s9+$0x0] =	vst.idx.add.f32.msk $0xffff, v0  }
0x5a: {  	v0 =	vld.idx.msk [tilespmem:v1+s11+$0x0], $0xffff;
	v1 =	vor.u32 $0x100, v8  }
0x5b: {  	v6 =	vor.u32 $0x100, v6;
	[tilespmem:v17+s9+$0x0] =	vst.idx.add.f32.msk $0xffff, v14  }
0x5c: {  	v8 =	vor.u32 $0x100, v12;
	[tilespmem:v23+s9+$0x0] =	vst.idx.add.f32.msk $0xffff, v19  }
0x5d: {  	v10 =	vor.u32 $0x100, v10;
	v11 =	vor.u32 $0x100, v15;
	v3 =	vld.idx.msk [tilespmem:v3+s11+$0x0], $0xffff  }
0x5e: {  	v9 =	vor.u32 $0x100, v9;
	v12 =	vand.u32 $0x7F, v29;
	v14 =	vshll.u32 v29, $0x2;
	v2 =	vld.idx.msk [tilespmem:v2+s11+$0x0], $0xffff  }
0x5f: {  	v15 =	vand.u32 $0x7F, v32;
	v17 =	vshll.u32 v32, $0x2;
	v14 =	vand.u32 $0xFFFFFE00, v14;
	[tilespmem:v1+s9+$0x0] =	vst.idx.add.f32.msk $0xffff, v4  }
0x60: {  	v19 =	vand.u32 $0x7F, v21;
	v1 =	vshll.u32 v21, $0x2;
	v4 =	vand.u32 $0xFFFFFE00, v17;
	[tilespmem:v6+s9+$0x0] =	vst.idx.add.f32.msk $0xffff, v7  }
0x61: {  	v22 =	vor.u32 v12, v14;
	v6 =	vand.u32 $0x7F, v28;
	v7 =	vshll.u32 v28, $0x2;
	[tilespmem:v8+s9+$0x0] =	vst.idx.add.f32.msk $0xffff, v5  }
0x62: {  	v5 =	vshll.u32 v27, $0x2;
	v7 =	vand.u32 $0xFFFFFE00, v7;
	v8 =	vand.u32 $0xFFFFFE00, v1;
	[tilespmem:v10+s9+$0x0] =	vst.idx.add.f32.msk $0xffff, v0  }
0x63: {  	v1 =	vshll.u32 v16, $0x2;
	v5 =	vand.u32 $0xFFFFFE00, v5;
	v0 =	vor.u32 v15, v4;
	[tilespmem:v11+s9+$0x0] =	vst.idx.add.f32.msk $0xffff, v3  }
0x64: {  	v10 =	vand.u32 $0xFFFFFE00, v1;
	v1 =	vand.u32 $0x7F, v27;
	v3 =	vshll.u32 v26, $0x2;
	[tilespmem:v9+s9+$0x0] =	vst.idx.add.f32.msk $0xffff, v2  }
0x65: {  	v4 =	vor.u32 v6, v7;
	v2 =	vshll.u32 v25, $0x2;
	v3 =	vand.u32 $0xFFFFFE00, v3;
	v6 =	vld [tilespmem:s15+$0x20]  }
0x66: {  	v11 =	vand.u32 $0x7F, v18;
	v9 =	vand.u32 $0x7F, v26;
	v2 =	vand.u32 $0xFFFFFE00, v2;
	v14 =	vld.idx.msk [tilespmem:v22+s11+$0x0], $0xffff  }
0x67: {  	v15 =	vand.u32 $0x7F, v25;
	v7 =	vor.u32 v19, v8;
	v1 =	vor.u32 v1, v5;
	v12 =	vld [tilespmem:s15+$0xFFFFFFF0]  }
0x68: {  	v8 =	vshll.u32 v13, $0x2;
	v5 =	vshll.u32 v18, $0x2;
	v18 =	vor.u32 $0x80, v22;
	v19 =	vld.idx.msk [tilespmem:v0+s11+$0x0], $0xffff  }
0x69: {  	v8 =	vand.u32 $0xFFFFFE00, v8;
	v5 =	vand.u32 $0xFFFFFE00, v5;
	v3 =	vor.u32 v9, v3;
	v23 =	vld [tilespmem:s15+$0x10]  }
0x6a: {  	v17 =	vand.u32 $0x7F, v16;
	v9 =	vld [tilespmem:s15+$0xFFFFFFD0];
	v20 =	vand.u32 $0x7F, v6;
	v6 =	vshll.u32 v6, $0x2  }
0x6b: {  	v16 =	vor.u32 v11, v5;
	v5 =	vor.u32 v17, v10;
	v24 =	vld [tilespmem:s15+$0xFFFFFFE0];
	v6 =	vand.u32 $0xFFFFFE00, v6  }
0x6c: {  	v2 =	vor.u32 v15, v2;
	v10 =	vshll.u32 v12, $0x2;
	v15 =	vld.idx.msk [tilespmem:v4+s11+$0x0], $0xffff;
	v6 =	vor.u32 v20, v6  }
0x6d: {  	v21 =	vand.u32 $0xFFFFFE00, v10;
	v10 =	vld [tilespmem:s15+$0x0]  }
0x6e: {  	v13 =	vand.u32 $0x7F, v13;
	v25 =	vld.idx.msk [tilespmem:v1+s11+$0x0], $0xffff;
	v11 =	vshll.u32 v23, $0x2  }
0x6f: {  	v20 =	vshll.u32 v9, $0x2;
	v26 =	vand.u32 $0xFFFFFE00, v11;
	v27 =	vld.idx.msk [tilespmem:v7+s11+$0x0], $0xffff;
	v11 =	vor.u32 v13, v8  }
0x70: {  	v8 =	vand.u32 $0x7F, v23;
	v13 =	vor.u32 $0x80, v0;
	v28 =	vand.u32 $0x7F, v24;
	v17 =	vld.idx.msk [tilespmem:v5+s11+$0x0], $0xffff  }
0x71: {  	v23 =	vshll.u32 v24, $0x2;
	v8 =	vor.u32 v8, v26;
	[tilespmem:v16+s9+$0x0] =	vst.idx.add.f32.msk $0xffff, v14  }
0x72: {  	v29 =	vor.u32 $0x80, v4;
	v24 =	vor.u32 $0x80, v16;
	v14 =	vld.idx.msk [tilespmem:v2+s11+$0x0], $0xffff;
	v26 =	vand.u32 $0x7F, v10  }
0x73: {  	v10 =	vshll.u32 v10, $0x2;
	v18 =	vld.idx.msk [tilespmem:v18+s11+$0x0], $0xffff  }
0x74: {  	v10 =	vand.u32 $0xFFFFFE00, v10;
	[tilespmem:v11+s9+$0x0] =	vst.idx.add.f32.msk $0xffff, v19  }
0x75: {  	v10 =	vor.u32 v26, v10;
	v26 =	vor.u32 $0x80, v1;
	v19 =	vld.idx.msk [tilespmem:v13+s11+$0x0], $0xffff  }
0x76: {  	[tilespmem:v8+s9+$0x0] =	vst.idx.add.f32.msk $0xffff, v15  }
0x77: {  	v22 =	vor.u32 $0x100, v22;
	v13 =	vld.idx.msk [tilespmem:v3+s11+$0x0], $0xffff  }
0x78: {  	v29 =	vld.idx.msk [tilespmem:v29+s11+$0x0], $0xffff  }
0x79: {  	v30 =	vor.u32 $0x80, v7;
	[tilespmem:v24+s9+$0x0] =	vst.idx.add.f32.msk $0xffff, v18;
	v18 =	vor.u32 $0x80, v8  }
0x7a: {  	v15 =	vand.u32 $0xFFFFFE00, v23;
	[tilespmem:v10+s9+$0x0] =	vst.idx.add.f32.msk $0xffff, v25  }
.Ltmp0:
0x7b: {  	v15 =	vor.u32 v28, v15;
	v23 =	vld.idx.msk [tilespmem:v26+s11+$0x0], $0xffff;
	(pc) =	sbr.rel @p0 .LBB2_2-.Ltmp0, $4  }
0x7c: {  	v24 =	vld.idx.msk [tilespmem:v22+s11+$0x0], $0xffff  }
0x7d: {  	[tilespmem:v6+s9+$0x0] =	vst.idx.add.f32.msk $0xffff, v27  }
0x7e: {  	v22 =	vld.idx.msk [tilespmem:v30+s11+$0x0], $0xffff  }
0x7f: {  	[tilespmem:v18+s9+$0x0] =	vst.idx.add.f32.msk $0xffff, v29  }
0x80: {  	v16 =	vor.u32 $0x100, v16  }
0x81: {  	v18 =	vor.u32 $0x80, v10  }
0x82: {  	v45 =	vor.u32 $0x80, v11  }
0x83: {  	v46 =	vor.u32 $0x80, v6  }
0x84: {  	[tilespmem:v15+s9+$0x0] =	vst.idx.add.f32.msk $0xffff, v13;
	v4 =	vor.u32 $0x100, v4  }
0x85: {  	v12 =	vand.u32 $0x7F, v12;
	v50 =	vor.u32 $0x80, v3;
	[tilespmem:v16+s9+$0x0] =	vst.idx.add.f32.msk $0xffff, v24  }
0x86: {  	v12 =	vor.u32 v12, v21;
	[tilespmem:v18+s9+$0x0] =	vst.idx.add.f32.msk $0xffff, v23  }
0x87: {  	v7 =	vor.u32 $0x100, v7;
	[tilespmem:v45+s9+$0x0] =	vst.idx.add.f32.msk $0xffff, v19  }
0x88: {  	v9 =	vand.u32 $0x7F, v9;
	v47 =	vand.u32 $0xFFFFFE00, v20;
	v0 =	vor.u32 $0x100, v0;
	[tilespmem:v46+s9+$0x0] =	vst.idx.add.f32.msk $0xffff, v22  }
0x89: {  	v9 =	vor.u32 v9, v47;
	v4 =	vld.idx.msk [tilespmem:v4+s11+$0x0], $0xffff  }
0x8a: {  	v1 =	vor.u32 $0x100, v1;
	v13 =	vld.idx.msk [tilespmem:v50+s11+$0x0], $0xffff  }
0x8b: {  	v44 =	vor.u32 $0x80, v5;
	[tilespmem:v12+s9+$0x0] =	vst.idx.add.f32.msk $0xffff, v17  }
0x8c: {  	v49 =	vor.u32 $0x80, v2;
	v7 =	vld.idx.msk [tilespmem:v7+s11+$0x0], $0xffff  }
0x8d: {  	v55 =	vor.u32 $0x80, v15;
	v0 =	vld.idx.msk [tilespmem:v0+s11+$0x0], $0xffff  }
0x8e: {  	v59 =	vor.u32 $0x100, v8;
	[tilespmem:v9+s9+$0x0] =	vst.idx.add.f32.msk $0xffff, v14  }
0x8f: {  	v53 =	vor.u32 $0x100, v11;
	v58 =	vld.idx.msk [tilespmem:v1+s11+$0x0], $0xffff  }
0x90: {  	v56 =	vor.u32 $0x100, v3;
	v48 =	vld.idx.msk [tilespmem:v44+s11+$0x0], $0xffff  }
0x91: {  	v51 =	vor.u32 $0x80, v12;
	v14 =	vld.idx.msk [tilespmem:v49+s11+$0x0], $0xffff  }
0x92: {  	v54 =	vor.u32 $0x80, v9;
	[tilespmem:v55+s9+$0x0] =	vst.idx.add.f32.msk $0xffff, v13  }
0x93: {  	v52 =	vor.u32 $0x100, v5;
	[tilespmem:v59+s9+$0x0] =	vst.idx.add.f32.msk $0xffff, v4  }
0x94: {  	v57 =	vor.u32 $0x100, v2;
	[tilespmem:v53+s9+$0x0] =	vst.idx.add.f32.msk $0xffff, v0  }
0x95: {  	v60 =	vor.u32 $0x100, v6;
	v3 =	vld.idx.msk [tilespmem:v56+s11+$0x0], $0xffff  }
0x96: {  	v62 =	vor.u32 $0x100, v10;
	[tilespmem:v51+s9+$0x0] =	vst.idx.add.f32.msk $0xffff, v48  }
0x97: {  	v63 =	vor.u32 $0x100, v15;
	[tilespmem:v54+s9+$0x0] =	vst.idx.add.f32.msk $0xffff, v14  }
0x98: {  	v61 =	vor.u32 $0x100, v12;
	v5 =	vld.idx.msk [tilespmem:v52+s11+$0x0], $0xffff  }
0x99: {  	v9 =	vor.u32 $0x100, v9;
	v2 =	vld.idx.msk [tilespmem:v57+s11+$0x0], $0xffff  }
0x9a: {  	[tilespmem:v60+s9+$0x0] =	vst.idx.add.f32.msk $0xffff, v7  }
0x9b: {  	[tilespmem:v62+s9+$0x0] =	vst.idx.add.f32.msk $0xffff, v58  }
0x9c: {  	s13 =	sadd.s32 $0x1, s13;
	[tilespmem:v63+s9+$0x0] =	vst.idx.add.f32.msk $0xffff, v3  }
0x9d: {  	p0 =	sne.s32 s13, s8;
	[tilespmem:v61+s9+$0x0] =	vst.idx.add.f32.msk $0xffff, v5  }
.Ltmp1:
0x9e: {  	[tilespmem:v9+s9+$0x0] =	vst.idx.add.f32.msk $0xffff, v2;
	(pc) =	sbr.rel @p0 .LBB2_1-.Ltmp1, $4  }
0x9f: {  	[hbm4b:s7+s2] =	stream.linear.scatter [tilespmem:s9], [sflag:$0x1], $0x9E00, $0x38;
	[tilespmem:$0x1D900] =	vst v63  }
0xa0: {  	_ =	swait.ge [sflag:s10], $0x9E00  }
0xa1: {  	[sflag:s10] =	ssyncset.done $0x0  }
0xa2: {  	[sflag:s10] =	ssyncadd.s32 $0xFFFF6200  }
0xa3: {  	_ =	sfence.sel $0x180000  }
0xa4: {  	[bflag:$0x0] =	sbarrier.arrive $0xFFFF  }
0xa5: {  	p0 =	sne.s32 s1, $0x0;
	_ =	strace $0x9000004D  }
0xa6: {  	s0 =	sadd.s32 @!p0 $0x100000, s0;
	[bflag:$0x2] =	sbarrier.arrive $0xFFFF  }
0xa7: {  	[sflag:s0] =	ssyncadd.tile.s32 @!p0 $0x1;
	_ =	shalt  }
.Lfunc_end2:
_tile_overlayer_lowered:
.L_overlay_start_2:
0xa8: {  	(tag) =	ssettag $0x2  }
0xa9: {  	s0 =	rddreg [dreg:$0x0];
	s2 =	stileid.u32  }
0xaa: {  	s1 =	rddreg [dreg:$0x1];
	p0 =	sne.s32 s2, $0x0  }
0xab: {  	s3 =	rddreg [dreg:$0x2];
	[bflag:$0x3] =	sbarrier.arrive $0xFFFF;
	s2 =	simm.s32 @!p0 $0x1C01  }
0xac: {  	[timem:s3], [sflag:s2] =	dma.local @!p0 [hbm:s0], s1  }
0xad: {  	s0 =	simm.s32 @!p0 $0x1  }
0xae: {  	_ =	swait.ge @!p0 [sflag:s0], s1  }
0xaf: {  	s1 =	ssub.s32 @!p0 $0x0, s1;
	[sflag:s0] =	ssyncset.done @!p0 $0x0  }
0xb0: {  	[sflag:s0] =	ssyncadd.s32 @!p0 s1  }
0xb1: {  	[bflag:$0x3] =	sbarrier.arrive $0xFFFF  }
0xb2: {  	_ =	shalt  }

// kernel: kernel.8.cloned.1.call-start
scs
__scs_entry_jumppad:
0x0: {  	(pc) =	sbr.rel $0x88, $3  }
0x1: {  	(tag) =	ssettag $0x0;
	lr =	simm.s32 $0x1  }
0x2: {  	[smem:$0x3F9A] =	sst lr;
	_ =	strace $0xD0000000  }
0x3: {  	_ = 	snop  }
0x4: {  	_ = 	snop  }
0x5: {  	_ = 	snop  }
0x6: {  	_ = 	snop  }
0x7: {  	_ = 	snop  }
__scs_overlays_trampoline_lowered:
0x8: {  	[smem:$0x3FA9] =	sst s0  }
0x9: {  	[smem:$0x3FAA] =	sst s1  }
0xa: {  	[smem:$0x3FAB] =	sst s2  }
0xb: {  	[smem:$0x3FAC] =	sst s3  }
0xc: {  	[smem:$0x3FAD] =	sst s4  }
0xd: {  	[smem:$0x3FAE] =	sst s5  }
0xe: {  	[smem:$0x3FAF] =	sst s6  }
0xf: {  	[smem:$0x3FB0] =	sst s7  }
0x10: {  	[smem:$0x3FB1] =	sst s8  }
0x11: {  	[smem:$0x3FB2] =	sst s9;
	s0 =	simm.s32 @!p0 $0x0  }
0x12: {  	s1 =	sld [smem:$0x3F98];
	s0 =	simm.s32 @p0 $0x1  }
0x13: {  	[smem:$0x3FB3] =	sst s0;
	s0 =	simm.s32 @!p1 $0x0  }
0x14: {  	s2 =	sld [smem:$0x3F97];
	s0 =	simm.s32 @p1 $0x1  }
0x15: {  	[smem:$0x3FB4] =	sst s0;
	s0 =	simm.s32 @!p2 $0x0  }
0x16: {  	s3 =	sld [smem:$0x3FDB];
	s0 =	simm.s32 @p2 $0x1  }
0x17: {  	s4 =	simm.s32 $0x1BF5;
	[smem:$0x3FB6] =	sst s0  }
0x18: {  	s0 =	sld [smem:$0x3F99];
	_ =	swait.ge [sflag:s4], $0x0  }
0x19: {  	s7 =	sld [smem:$0x3F9A]  }
0x1a: {  	s8 =	sadd.s32 $0xFFFFE003, lr  }
0x1b: {  	s9 =	sadd.s32 $0xFFFFFEF7, lr;
	s5 =	simm.s32 $0xFFFFFFFF;
	p2 =	slt.u32 s8, $0xFFFFF086  }
0x1c: {  	p1 =	slt.u32 s9, $0xF7A;
	s5 =	simm.s32 @!p2 $0x0  }
0x1d: {  	s5 =	simm.s32 @p1 $0x1;
	p0 =	seq.s32 s7, s2  }
0x1e: {  	s7 =	smul.u32 @!p0 $0xF7A, s2;
	p2 =	seq.s32 @!p0 s5, $0x0  }
0x1f: {  	s9 =	smul.u32 $0xF7A, s1;
	s8 =	simm.s32 @!p0 $0x1BF5;
	p2 =	por !p2, p0  }
0x20: {  	[sflag:s8] =	ssyncset.s32 @!p0 $0xFFFFF086;
	s6 =	sadd.s32 @!p0 s3, s7;
	s7 =	simm.s32 @!p0 $0x108  }
0x21: {  	s3 =	sadd.s32 s3, s9;
	s6 =	sadd.s32 @!p0 $0x88, s6;
	s7 =	simm.s32 @p2 $0x1082  }
0x22: {  	[simem:s7], [sflag:s8] =	dma.local @!p0 [hbm:s6], $0xF7A  }
0x23: {  	s9 =	sor.u32 $0xD0000000, s2;
	s6 =	simm.s32 $0x108;
	_ =	swait.ge @!p0 [sflag:s8], $0x0  }
0x24: {  	s3 =	sadd.s32 $0x88, s3;
	s6 =	simm.s32 @!p1 $0x1082;
	[sflag:s4] =	ssyncset.s32 $0xFFFFF086  }
0x25: {  	[simem:s6], [sflag:s4] =	dma.local [hbm:s3], $0xF7A  }
0x26: {  	[smem:$0x3F9A] =	sst s1;
	(tag) =	ssettag s2;
	_ =	strace s9  }
0x27: {  	s1 =	sld [smem:$0x3FAA]  }
0x28: {  	s2 =	sld [smem:$0x3FAB]  }
0x29: {  	s4 =	sld [smem:$0x3FAD]  }
0x2a: {  	p0 =	seq.s32 s5, $0x0;
	s5 =	sld [smem:$0x3FAE]  }
0x2b: {  	s6 =	sld [smem:$0x3FAF]  }
0x2c: {  	s7 =	sld [smem:$0x3FB0]  }
0x2d: {  	s3 =	simm.s32 $0x108;
	s8 =	sld [smem:$0x3FB1]  }
0x2e: {  	s3 =	simm.s32 @!p0 $0x1082;
	s9 =	sld [smem:$0x3FB2]  }
0x2f: {  	lr =	sadd.s32 s0, s3;
	s0 =	sld [smem:$0x3FA9]  }
0x30: {  	s3 =	sld [smem:$0x3FAC]  }
0x31: {  	[smem:$0x3FB5] =	sst s10  }
0x32: {  	s10 =	sld [smem:$0x3FB3];
	_ =	sdelay $0x3  }
0x33: {  	p0 =	seq.s32 s10, $0x1;
	s10 =	sld [smem:$0x3FB5];
	_ =	sdelay $0x3  }
0x34: {  	[smem:$0x3FB5] =	sst s10  }
0x35: {  	s10 =	sld [smem:$0x3FB4];
	_ =	sdelay $0x3  }
0x36: {  	p1 =	seq.s32 s10, $0x1;
	s10 =	sld [smem:$0x3FB5];
	_ =	sdelay $0x3  }
0x37: {  	[smem:$0x3FB5] =	sst s10  }
0x38: {  	s10 =	sld [smem:$0x3FB6]  }
0x39: {  	_ = 	snop;
	(pc) =	sbr.ind lr, $3  }
0x3a: {  	_ = 	snop  }
0x3b: {  	_ = 	snop  }
0x3c: {  	p2 =	seq.s32 s10, $0x1;
	s10 =	sld [smem:$0x3FB5]  }
0x3d: {  	_ =	shalt  }
0x3e: {  	_ =	shalt  }
0x3f: {  	_ =	shalt  }
0x40: {  	_ =	shalt  }
0x41: {  	_ =	shalt  }
0x42: {  	_ =	shalt  }
0x43: {  	_ =	shalt  }
0x44: {  	_ =	shalt  }
0x45: {  	_ =	shalt  }
0x46: {  	_ =	shalt  }
0x47: {  	_ =	shalt  }
0x48: {  	_ =	shalt  }
0x49: {  	_ =	shalt  }
0x4a: {  	_ =	shalt  }
0x4b: {  	_ =	shalt  }
0x4c: {  	_ =	shalt  }
0x4d: {  	_ =	shalt  }
0x4e: {  	_ =	shalt  }
0x4f: {  	_ =	shalt  }
0x50: {  	_ =	shalt  }
0x51: {  	_ =	shalt  }
0x52: {  	_ =	shalt  }
0x53: {  	_ =	shalt  }
0x54: {  	_ =	shalt  }
0x55: {  	_ =	shalt  }
0x56: {  	_ =	shalt  }
0x57: {  	_ =	shalt  }
0x58: {  	_ =	shalt  }
0x59: {  	_ =	shalt  }
0x5a: {  	_ =	shalt  }
0x5b: {  	_ =	shalt  }
0x5c: {  	_ =	shalt  }
0x5d: {  	_ =	shalt  }
0x5e: {  	_ =	shalt  }
0x5f: {  	_ =	shalt  }
0x60: {  	_ =	shalt  }
0x61: {  	_ =	shalt  }
0x62: {  	_ =	shalt  }
0x63: {  	_ =	shalt  }
0x64: {  	_ =	shalt  }
0x65: {  	_ =	shalt  }
0x66: {  	_ =	shalt  }
0x67: {  	_ =	shalt  }
0x68: {  	_ =	shalt  }
0x69: {  	_ =	shalt  }
0x6a: {  	_ =	shalt  }
0x6b: {  	_ =	shalt  }
0x6c: {  	_ =	shalt  }
0x6d: {  	_ =	shalt  }
0x6e: {  	_ =	shalt  }
0x6f: {  	_ =	shalt  }
0x70: {  	_ =	shalt  }
0x71: {  	_ =	shalt  }
0x72: {  	_ =	shalt  }
0x73: {  	_ =	shalt  }
0x74: {  	_ =	shalt  }
0x75: {  	_ =	shalt  }
0x76: {  	_ =	shalt  }
0x77: {  	_ =	shalt  }
0x78: {  	_ =	shalt  }
0x79: {  	_ =	shalt  }
0x7a: {  	_ =	shalt  }
0x7b: {  	_ =	shalt  }
0x7c: {  	_ =	shalt  }
0x7d: {  	_ =	shalt  }
0x7e: {  	_ =	shalt  }
0x7f: {  	_ =	shalt  }
0x80: {  	_ =	shalt  }
0x81: {  	_ =	shalt  }
0x82: {  	_ =	shalt  }
0x83: {  	_ =	shalt  }
0x84: {  	_ =	shalt  }
0x85: {  	_ =	shalt  }
0x86: {  	_ =	shalt  }
0x87: {  	_ =	shalt  }
.Lfunc_end0:
.L_simem_size_0:
called_computation_lowered:
.L_overlay_start_0:
0x88: {  	s2 =	sld [smem:$0x3FD9]  }
0x89: {  	s3 =	sld [smem:$0x3FFE];
	_ =	sdelay $0x1  }
0x8a: {  	s1 =	srdreg.scid  }
0x8b: {  	s0 =	sand.u32 $0x1, s1  }
0x8c: {  	s16 =	sshll.u32 s0, $0xA;
	s2 =	sadd.s32 s3, s2  }
0x8d: {  	s2 =	sadd.s32 s2, s16  }
0x8e: {  	[smem:$0x3FC1] =	sst s2  }
0x8f: {  	_ = 	snop  }
0x90: {  	(tm) =	ssettm $0x1  }
0x91: {  	s17 =	sld [smem:$0x3FFB];
	_ =	sdelay $0x3  }
0x92: {  	_ =	strace s17  }
0x93: {  	s2 =	sld [smem:$0x3FFC];
	_ =	sdelay $0x3  }
0x94: {  	_ =	strace s2  }
0x95: {  	s2 =	sld [smem:$0x3FFD];
	_ =	sdelay $0x3  }
0x96: {  	_ =	strace s2  }
0x97: {  	_ =	strace $0x8FFFFFFF  }
0x98: {  	s18 =	sld [smem:$0x3FDB];
	_ =	sdelay $0x1  }
0x99: {  	s19 =	simm.s32 $_scs_section_size  }
0x9a: {  	s4 =	simm.s32 $_size__tile_overlayer_lowered;
	s5 =	simm.s32 $_tile_overlayer_lowered  }
0x9b: {  	s22 =	simm.s32 $0x1BFF;
	s21 =	sshll.u32 s5, $0x1;
	s2 =	sadd.s32 s19, s18  }
0x9c: {  	s6 =	simm.s32 $0x0;
	s20 =	sshll.u32 s4, $0x1;
	s4 =	sadd.s32 s21, s2  }
0x9d: {  	[timem:s6], [sflag:s22] =	dma.local [hbm:s4], s20  }
0x9e: {  	_ =	swait.ge [sflag:s22], s20  }
0x9f: {  	s3 =	ssub.s32 $0x0, s20;
	[sflag:s22] =	ssyncset.done $0x0  }
0xa0: {  	[sflag:s22] =	ssyncadd.s32 s3;
	_ =	sdelay $0x1  }
0xa1: {  	s23 =	simm.s32 $0x1B8B  }
0xa2: {  	_ =	swait.ge [sflag:s23], $0x1  }
0xa3: {  	[sflag:s23] =	ssyncset.done $0x0  }
0xa4: {  	s25 =	simm.s32 $0x1B8E;
	s24 =	sld [smem:$0x3FFE];
	[sflag:s23] =	ssyncadd.s32 $0xFFFFFFFF  }
0xa5: {  	s26 =	simm.s32 $execute0_lowered;
	[smem:$0x3FD2] =	sst s25  }
0xa6: {  	s4 =	sshll.u32 s26, $0x1;
	_ =	strace $0x80000046;
	[dreg:$0x1] =	wrdreg $0xFFFFFFFF  }
0xa7: {  	s28 =	simm.s32 $_size_execute0_lowered;
	s2 =	sadd.s32 s2, s4;
	[dreg:$0x0] =	wrdreg $0x0  }
0xa8: {  	s4 =	sshll.u32 s28, $0x1;
	[dreg:$0x2] =	wrdreg s2  }
0xa9: {  	[dreg:$0x3] =	wrdreg s4  }
0xaa: {  	[dreg:$0x4] =	wrdreg $0xC0  }
0xab: {  	_ =	task [dreg:s6], $0x5FFFF  }
0xac: {  	[dreg:$0x1] =	wrdreg $0xFFFFFFFF  }
0xad: {  	[dreg:$0x0] =	wrdreg $0x60  }
0xae: {  	[dreg:$0x2] =	wrdreg s24  }
0xaf: {  	[dreg:$0x3] =	wrdreg $0x9  }
0xb0: {  	_ =	task.clear_ibuf [dreg:s6], $0x4FFFF;
	_ =	strace $0x90000046  }
0xb1: {  	s29 =	simm.s32 $0x9;
	_ =	strace $0x80000048  }
0xb2: {  	_ =	swait.ge [sflag:s29], $0x1  }
0xb3: {  	[sflag:s29] =	ssyncadd.s32 $0xFFFFFFFF  }
0xb4: {  	_ =	strace $0x90000048  }
0xb5: {  	_ =	sfence  }
0xb6: {  	s30 =	sld [smem:$0x0];
	_ =	sdelay $0x2  }
0xb7: {  	s31 =	sshll.u32 s1, $0xD;
	s1 =	sshrl.u32 s1, $0x2  }
0xb8: {  	s3 =	sand.u32 $0x4000, s31;
	s1 =	sadd.s32 s1, s30  }
0xb9: {  	s0 =	sor.u32 s3, s0;
	s1 =	sshll.u32 s1, $0x11  }
0xba: {  	s0 =	sor.u32 s1, s0  }
0xbb: {  	s0 =	sadd.s32 $0x8F2B, s0  }
0xbc: {  	[sflag:s0] =	ssyncadd.remote.s32 $0x1  }
0xbd: {  	_ =	sfence.sel $0xFFFF  }
0xbe: {  	[dreg:$0x0] =	wrdreg $0xFFFFFFFF;
	(pc) =	sbr.abs _section_cstart, $3  }
0xbf: {  	[dreg:$0x1] =	wrdreg $0xFFFFFFFF  }
0xc0: {  	_ =	task.clear_ibuf [dreg:s6], $0x2FFFF;
	_ =	strace $0x9FFFFFFF  }
0xc1: {  	(tm) =	ssettm $0x7FFFFFFF  }
tec
execute0_lowered:
.L_overlay_start_1:
0x0: {  	(tag) =	ssettag $0x1  }
0x1: {  	s0 =	srdreg.scid  }
0x2: {  	s4 =	rddreg [dreg:$0x0];
	s2 =	simm.s32 $0x0;
	s3 =	sand.u32 $0x1, s0  }
0x3: {  	s8 =	simm.s32 $0x1;
	s0 =	stileid.u32;
	s1 =	sshll.u32 s3, $0x4  }
0x4: {  	s9 =	simm.s32 $0x80;
	s10 =	simm.s32 $0x400;
	s5 =	sor.u32 s0, s1  }
0x5: {  	s11 =	simm.s32 $0x0;
	[smem:$0x7FF] =	sst s2;
	s6 =	sshrl.u32 s5, $0x3  }
0x6: {  	s7 =	sshll.u32 s0, $0x7;
	s30 =	ssub.s32 $0x2, s3;
	s6 =	smul.u32 $0x13C00, s6  }
0x7: {  	s3 =	sadd.s32 $0x15E00, s4;
	s7 =	sand.u32 $0x380, s7;
	s5 =	smul.u32 $0x9D0, s5  }
0x8: {  	s1 =	rddreg [dreg:$0x1];
	_ =	strace $0x80000047;
	s6 =	sor.u32 s7, s6  }
0x9: {  	s31 =	sshrl.u32 s30, $0x1;
	s5 =	sadd.s32 s5, s4;
	s6 =	sshrl.u32 s6, $0x3  }
0xa: {  	s7 =	ssub.s32 s30, s31;
	s6 =	sadd.s32 s6, s4;
	s4 =	sadd.s32 $0x2400, s5  }
0xb: {  	v0 =	vimm.f32 $1.000000000e+00;
	s5 =	sadd.s32 $0x16400, s6;
	s6 =	smax.u32 s7, $0x1;
	s7 =	simm.s32 $0x4E80  }
.LBB2_1:
0xc: {  	[tilespmem:s7], [sflag:$0x1] =	stream.linear.gather [hbm4b:s3+s2], $0x2780, $0x38;
	[tilespmem:$0x7600] =	vst v63  }
0xd: {  	_ =	swait.ge [sflag:s8], $0x2780  }
0xe: {  	[sflag:s8] =	ssyncset.done $0x0  }
0xf: {  	[sflag:s8] =	ssyncadd.s32 $0xFFFFD880  }
0x10: {  	[tilespmem:s2], [sflag:$0x1] =	stream.linear.gather [hbm4b:s4+s2], $0x4E80, $0x38;
	[tilespmem:$0x7600] =	vst v63  }
0x11: {  	_ =	swait.ge [sflag:s8], $0x4E80  }
0x12: {  	[sflag:s8] =	ssyncset.done $0x0  }
0x13: {  	s12 =	simm.s32 $0x40;
	[sflag:s8] =	ssyncadd.s32 $0xFFFFB180  }
0x14: {  	v2 =	vld [tilespmem:s12+$0xFFFFFFC0]  }
0x15: {  	v3 =	vld [tilespmem:s12+$0x30]  }
0x16: {  	v4 =	vld [tilespmem:s12+$0x20]  }
0x17: {  	v5 =	vld [tilespmem:s12+$0x10]  }
0x18: {  	v6 =	vld [tilespmem:s12+$0x0]  }
0x19: {  	v7 =	vld [tilespmem:s12+$0xFFFFFFF0]  }
0x1a: {  	v8 =	vld [tilespmem:s12+$0xFFFFFFE0]  }
0x1b: {  	v1 =	vld [tilespmem:s12+$0xFFFFFFD0]  }
0x1c: {  	[tilespmem:v2+s7+$0x0] =	vst.idx.add.f32.msk $0xffff, v0  }
0x1d: {  	[tilespmem:v3+s7+$0x0] =	vst.idx.add.f32.msk $0xffff, v0  }
0x1e: {  	[tilespmem:v4+s7+$0x0] =	vst.idx.add.f32.msk $0xffff, v0  }
0x1f: {  	[tilespmem:v5+s7+$0x0] =	vst.idx.add.f32.msk $0xffff, v0  }
0x20: {  	[tilespmem:v6+s7+$0x0] =	vst.idx.add.f32.msk $0xffff, v0  }
0x21: {  	[tilespmem:v7+s7+$0x0] =	vst.idx.add.f32.msk $0xffff, v0  }
0x22: {  	s13 =	simm.s32 $0x0;
	[tilespmem:v8+s7+$0x0] =	vst.idx.add.f32.msk $0xffff, v0  }
.LBB2_2:
0x23: {  	s13 =	sadd.s32 $0x8, s13;
	[tilespmem:v1+s7+$0x0] =	vst.idx.add.f32.msk $0xffff, v0;
	s12 =	sadd.s32 $0x80, s12  }
0x24: {  	v2 =	vld [tilespmem:s12+$0xFFFFFFC0];
	p0 =	slt.u32 s13, $0x4E0  }
0x25: {  	v3 =	vld [tilespmem:s12+$0x30]  }
0x26: {  	v4 =	vld [tilespmem:s12+$0x20]  }
0x27: {  	v5 =	vld [tilespmem:s12+$0x10]  }
0x28: {  	v6 =	vld [tilespmem:s12+$0x0]  }
0x29: {  	v7 =	vld [tilespmem:s12+$0xFFFFFFF0]  }
0x2a: {  	v8 =	vld [tilespmem:s12+$0xFFFFFFE0]  }
0x2b: {  	v1 =	vld [tilespmem:s12+$0xFFFFFFD0]  }
0x2c: {  	[tilespmem:v2+s7+$0x0] =	vst.idx.add.f32.msk $0xffff, v0  }
0x2d: {  	[tilespmem:v3+s7+$0x0] =	vst.idx.add.f32.msk $0xffff, v0  }
.Ltmp0:
0x2e: {  	[tilespmem:v4+s7+$0x0] =	vst.idx.add.f32.msk $0xffff, v0;
	(pc) =	sbr.rel @p0 .LBB2_2-.Ltmp0, $4  }
0x2f: {  	[tilespmem:v5+s7+$0x0] =	vst.idx.add.f32.msk $0xffff, v0  }
0x30: {  	[tilespmem:v6+s7+$0x0] =	vst.idx.add.f32.msk $0xffff, v0  }
0x31: {  	[tilespmem:v7+s7+$0x0] =	vst.idx.add.f32.msk $0xffff, v0  }
0x32: {  	[tilespmem:v8+s7+$0x0] =	vst.idx.add.f32.msk $0xffff, v0  }
0x33: {  	_ =	sdelay $0x1  }
0x34: {  	s11 =	sadd.s32 $0x1, s11  }
0x35: {  	p0 =	sne.s32 s11, s6  }
.Ltmp1:
0x36: {  	[tilespmem:v1+s7+$0x0] =	vst.idx.add.f32.msk $0xffff, v0;
	(pc) =	sbr.rel @p0 .LBB2_1-.Ltmp1, $4  }
0x37: {  	[hbm4b:s5+s9] =	stream.strided.scatter [tilespmem:s7], [sflag:$0x1], $0x2780, s10, s9, $0x38;
	[tilespmem:$0x7600] =	vst v63  }
0x38: {  	_ =	swait.ge [sflag:s8], $0x2780  }
0x39: {  	[sflag:s8] =	ssyncset.done $0x0  }
0x3a: {  	[sflag:s8] =	ssyncadd.s32 $0xFFFFD880  }
0x3b: {  	_ =	sfence.sel $0x180000  }
0x3c: {  	[bflag:$0x0] =	sbarrier.arrive $0xFFFF  }
0x3d: {  	p0 =	sne.s32 s0, $0x0;
	_ =	strace $0x90000047  }
0x3e: {  	s0 =	sadd.s32 @!p0 $0x100000, s1;
	[bflag:$0x2] =	sbarrier.arrive $0xFFFF  }
0x3f: {  	[sflag:s0] =	ssyncadd.tile.s32 @!p0 $0x1;
	_ =	shalt  }
.Lfunc_end2:
_tile_overlayer_lowered:
.L_overlay_start_2:
0x40: {  	(tag) =	ssettag $0x2  }
0x41: {  	s0 =	rddreg [dreg:$0x0];
	s2 =	stileid.u32  }
0x42: {  	s1 =	rddreg [dreg:$0x1];
	p0 =	sne.s32 s2, $0x0  }
0x43: {  	s3 =	rddreg [dreg:$0x2];
	[bflag:$0x3] =	sbarrier.arrive $0xFFFF;
	s2 =	simm.s32 @!p0 $0x1C01  }
0x44: {  	[timem:s3], [sflag:s2] =	dma.local @!p0 [hbm:s0], s1  }
0x45: {  	s0 =	simm.s32 @!p0 $0x1  }
0x46: {  	_ =	swait.ge @!p0 [sflag:s0], s1  }
0x47: {  	s1 =	ssub.s32 @!p0 $0x0, s1;
	[sflag:s0] =	ssyncset.done @!p0 $0x0  }
0x48: {  	[sflag:s0] =	ssyncadd.s32 @!p0 s1  }
0x49: {  	[bflag:$0x3] =	sbarrier.arrive $0xFFFF  }
0x4a: {  	_ =	shalt  }

</sc_bundles>
